<compile_context>
chip_gen: v7x
topology: tpu7x:2x2x1
jax: 0.10.2.dev20260603
libtpu: 0.0.44.dev20260713+nightly
codegen_flags: <defaults>
</compile_context>

<pallas_src>
import jax
import jax.numpy as jnp
from jax import lax
from jax.experimental import pallas as pl
from jax.experimental.pallas import tpu as pltpu
from jax.experimental.pallas import tpu_sc as plsc

BATCH = 16384
NUM_INPUTS = 26
NUM_CORES = 2
NUM_SUBCORES = 16
NW = NUM_CORES * NUM_SUBCORES
ROWS_PER_W = BATCH // NW
IDX_PER_W = ROWS_PER_W * NUM_INPUTS
L = 16
TABLE = 1000000
LOAD_CHUNK = 62592


def _sc_body(inputs_hbm, w_hbm, b_hbm, out_hbm, table_sh, idx_v, vals_v, out_v, b_v, sem):
    cid = lax.axis_index("c")
    sid = lax.axis_index("s")
    wid = sid * NUM_CORES + cid

    idx_cp = pltpu.async_copy(inputs_hbm.at[wid], idx_v, sem)
    pltpu.sync_copy(b_hbm, b_v)

    for t in range(NUM_SUBCORES):
        @pl.when(sid == t)
        def _():
            off = LOAD_CHUNK * t
            ln = LOAD_CHUNK if t < 15 else TABLE - 15 * LOAD_CHUNK
            pltpu.sync_copy(
                w_hbm.at[:, pl.ds(off, ln)], table_sh.at[:, pl.ds(off, ln)]
            )

    plsc.subcore_barrier()
    idx_cp.wait()
    pltpu.async_copy(table_sh.at[0].at[idx_v], vals_v, sem).wait()

    bvec = b_v[...]

    def blk_body(blk, carry):
        base = pl.multiple_of(blk * L, L)
        acc = bvec
        for j in range(NUM_INPUTS):
            acc = acc + vals_v[pl.ds(j * ROWS_PER_W + base, L)]
        out_v[pl.ds(base, L)] = 1.0 / (1.0 + jnp.exp(-acc))
        return carry

    lax.fori_loop(0, ROWS_PER_W // L, blk_body, 0)
    pltpu.sync_copy(
        out_v, out_hbm.at[pl.ds(pl.multiple_of(wid * ROWS_PER_W, 512), ROWS_PER_W)]
    )


def kernel(inputs, w, b):
    inputs_r = (
        inputs.reshape(NW, ROWS_PER_W, NUM_INPUTS)
        .transpose(0, 2, 1)
        .reshape(NW, IDX_PER_W)
    )
    b16 = jnp.broadcast_to(b, (L,))
    mesh = plsc.VectorSubcoreMesh(core_axis_name="c", subcore_axis_name="s")
    f = pl.kernel(
        _sc_body,
        out_type=jax.ShapeDtypeStruct((BATCH,), jnp.float32),
        mesh=mesh,
        scratch_types=[
            pltpu.VMEM_SHARED((1, TABLE), jnp.float32),
            pltpu.VMEM((IDX_PER_W,), jnp.int32),
            pltpu.VMEM((IDX_PER_W,), jnp.float32),
            pltpu.VMEM((ROWS_PER_W,), jnp.float32),
            pltpu.VMEM((L,), jnp.float32),
            pltpu.SemaphoreType.DMA,
        ],
    )
    return f(inputs_r, w.reshape(1, TABLE), b16)

# --- scband reference (transcript-rebuilt; emitter-appended) ---
"""Pipeline reference for scband-lr-31679678775359 (READ-ONLY COPY).

The authoritative reference and input builder live on the scoring server;
editing this copy changes nothing except your own understanding.
"""

import jax, jax.numpy as jnp
import numpy as np

BATCH = 16384
NUM_INPUTS = 26
INPUT_DIM = 1000000

def setup_inputs(seed: int = 0) -> dict:
    key = jax.random.key(seed)
    k1, k2 = jax.random.split(key)
    inputs = jax.random.randint(k1, (BATCH, NUM_INPUTS), 0, INPUT_DIM, dtype=jnp.int32)
    # 'uniform' init in the original utils.get_variable -> small uniform weights
    w = jax.random.uniform(k2, (INPUT_DIM, 1), dtype=jnp.float32, minval=-0.01, maxval=0.01)
    b = jnp.zeros((1,), dtype=jnp.float32)
    return {"inputs": inputs, "w": w, "b": b}

def reference(inputs, w, b):
    # embed = tf.gather(w, inputs) -> [B, num_inputs, 1]
    embed = jnp.take(w, inputs, axis=0)
    # norm=False -> identity normalize
    # logits = squeeze(reduce_sum(embed, 1)) + b -> [B]
    logits = jnp.squeeze(jnp.sum(embed, axis=1), axis=-1) + b
    outputs = jax.nn.sigmoid(logits)
    return outputs

if __name__ == "__main__":
    import jax
    _d = setup_inputs()
    print(jax.jit(kernel)(*tuple(_d.values())))

</pallas_src>

<mosaic_0001>
#map = affine_map<(d0, d1) -> (0, 0)>
#map1 = affine_map<(d0, d1) -> (0)>
module attributes {stable_mosaic.version = 14 : i64} {
  func.func @_sc_body(%arg0: i32, %arg1: i32, %arg2: memref<32x13312xi32, #tpu.memory_space<hbm>>, %arg3: memref<1x1000000xf32, #tpu.memory_space<hbm>>, %arg4: memref<16xf32, #tpu.memory_space<hbm>>, %arg5: memref<16384xf32, #tpu.memory_space<hbm>>, %arg6: memref<1x1000000xf32, #tpu.memory_space<vmem_shared>>, %arg7: memref<13312xi32, #tpu.memory_space<vmem>>, %arg8: memref<13312xf32, #tpu.memory_space<vmem>>, %arg9: memref<512xf32, #tpu.memory_space<vmem>>, %arg10: memref<16xf32, #tpu.memory_space<vmem>>, %arg11: memref<!tpu.dma_semaphore, #tpu.memory_space<semaphore_mem>>) attributes {dimension_semantics = [#tpu.dimension_semantics<core_parallel>, #tpu.dimension_semantics<subcore_parallel>], iteration_bounds = array<i64: 2, 16>, scalar_prefetch = 0 : i64, scratch_operands = 6 : i64, tpu.core_type = #tpu.core_type<sc_vector_subcore>, window_params = [{transform_indices = #map}, {transform_indices = #map}, {transform_indices = #map1}, {transform_indices = #map1}]} {
    %mul3A = arith.constant 2 : i32
    %mul3A_0 = arith.muli %arg1, %mul3A : i32
    %add3A = arith.addi %mul3A_0, %arg0 : i32
    %dma_start3A = arith.constant 0 : i32
    %dma_start3A_1 = tpu.memref_slice %arg2[%add3A, %dma_start3A] : memref<32x13312xi32, #tpu.memory_space<hbm>> -> memref<1x13312xi32, #tpu.memory_space<hbm>>
    %dma_start3A_2 = tpu.memref_squeeze %dma_start3A_1 : memref<1x13312xi32, #tpu.memory_space<hbm>> -> memref<13312xi32, #tpu.memory_space<hbm>>
    %dma_start3A_3 = arith.constant 0 : i32
    %dma_start3A_4 = tpu.memref_slice %arg2[%add3A, %dma_start3A_3] : memref<32x13312xi32, #tpu.memory_space<hbm>> -> memref<1x13312xi32, #tpu.memory_space<hbm>>
    %dma_start3A_5 = tpu.memref_squeeze %dma_start3A_4 : memref<1x13312xi32, #tpu.memory_space<hbm>> -> memref<13312xi32, #tpu.memory_space<hbm>>
    tpu.enqueue_dma source(%dma_start3A_5 : memref<13312xi32, #tpu.memory_space<hbm>>) target(%arg7 : memref<13312xi32, #tpu.memory_space<vmem>>) target_semaphore(%arg11 : memref<!tpu.dma_semaphore, #tpu.memory_space<semaphore_mem>>)
    "tpu.region"() ({
      %run_scoped3A = tpu.sem_alloc : memref<!tpu.dma_semaphore, #tpu.memory_space<semaphore_mem>>
      tpu.enqueue_dma source(%arg4 : memref<16xf32, #tpu.memory_space<hbm>>) target(%arg10 : memref<16xf32, #tpu.memory_space<vmem>>) target_semaphore(%run_scoped3A : memref<!tpu.dma_semaphore, #tpu.memory_space<semaphore_mem>>)
      tpu.wait_dma2 semaphore(%run_scoped3A : memref<!tpu.dma_semaphore, #tpu.memory_space<semaphore_mem>>) src(%arg4 : memref<16xf32, #tpu.memory_space<hbm>>) dst(%arg10 : memref<16xf32, #tpu.memory_space<vmem>>)
      tpu.yield
    }) : () -> ()
    %eq3A = arith.constant 0 : i32
    %eq3A_6 = arith.cmpi eq, %arg1, %eq3A : i32
    %convert_element_type3A = arith.extui %eq3A_6 : i1 to i32
    %cond3A = arith.constant 0 : i32
    %cond3A_7 = arith.cmpi ne, %convert_element_type3A, %cond3A : i32
    scf.if %cond3A_7 {
      "tpu.region"() ({
        %run_scoped3A = tpu.sem_alloc : memref<!tpu.dma_semaphore, #tpu.memory_space<semaphore_mem>>
        %dma_start3A_109 = arith.constant 0 : i32
        %dma_start3A_110 = arith.constant 0 : i32
        %dma_start3A_111 = tpu.memref_slice %arg6[%dma_start3A_109, %dma_start3A_110] : memref<1x1000000xf32, #tpu.memory_space<vmem_shared>> -> memref<1x62592xf32, #tpu.memory_space<vmem_shared>>
        %dma_start3A_112 = arith.constant 0 : i32
        %dma_start3A_113 = arith.constant 0 : i32
        %dma_start3A_114 = tpu.memref_slice %arg3[%dma_start3A_112, %dma_start3A_113] : memref<1x1000000xf32, #tpu.memory_space<hbm>> -> memref<1x62592xf32, #tpu.memory_space<hbm>>
        tpu.enqueue_dma source(%dma_start3A_114 : memref<1x62592xf32, #tpu.memory_space<hbm>>) target(%dma_start3A_111 : memref<1x62592xf32, #tpu.memory_space<vmem_shared>>) target_semaphore(%run_scoped3A : memref<!tpu.dma_semaphore, #tpu.memory_space<semaphore_mem>>)
        %dma_wait3A_115 = arith.constant 0 : i32
        %dma_wait3A_116 = arith.constant 0 : i32
        %dma_wait3A_117 = tpu.memref_slice %arg6[%dma_wait3A_115, %dma_wait3A_116] : memref<1x1000000xf32, #tpu.memory_space<vmem_shared>> -> memref<1x62592xf32, #tpu.memory_space<vmem_shared>>
        %dma_wait3A_118 = arith.constant 0 : i32
        %dma_wait3A_119 = arith.constant 0 : i32
        %dma_wait3A_120 = tpu.memref_slice %arg3[%dma_wait3A_118, %dma_wait3A_119] : memref<1x1000000xf32, #tpu.memory_space<hbm>> -> memref<1x62592xf32, #tpu.memory_space<hbm>>
        tpu.wait_dma2 semaphore(%run_scoped3A : memref<!tpu.dma_semaphore, #tpu.memory_space<semaphore_mem>>) src(%dma_wait3A_120 : memref<1x62592xf32, #tpu.memory_space<hbm>>) dst(%dma_wait3A_117 : memref<1x62592xf32, #tpu.memory_space<vmem_shared>>)
        tpu.yield
      }) : () -> ()
    } else {
    }
    %eq3A_8 = arith.constant 1 : i32
    %eq3A_9 = arith.cmpi eq, %arg1, %eq3A_8 : i32
    %convert_element_type3A_10 = arith.extui %eq3A_9 : i1 to i32
    %cond3A_11 = arith.constant 0 : i32
    %cond3A_12 = arith.cmpi ne, %convert_element_type3A_10, %cond3A_11 : i32
    scf.if %cond3A_12 {
      "tpu.region"() ({
        %run_scoped3A = tpu.sem_alloc : memref<!tpu.dma_semaphore, #tpu.memory_space<semaphore_mem>>
        %dma_start3A_109 = arith.constant 0 : i32
        %dma_start3A_110 = arith.constant 62592 : i32
        %dma_start3A_111 = tpu.memref_slice %arg6[%dma_start3A_109, %dma_start3A_110] : memref<1x1000000xf32, #tpu.memory_space<vmem_shared>> -> memref<1x62592xf32, #tpu.memory_space<vmem_shared>>
        %dma_start3A_112 = arith.constant 0 : i32
        %dma_start3A_113 = arith.constant 62592 : i32
        %dma_start3A_114 = tpu.memref_slice %arg3[%dma_start3A_112, %dma_start3A_113] : memref<1x1000000xf32, #tpu.memory_space<hbm>> -> memref<1x62592xf32, #tpu.memory_space<hbm>>
        tpu.enqueue_dma source(%dma_start3A_114 : memref<1x62592xf32, #tpu.memory_space<hbm>>) target(%dma_start3A_111 : memref<1x62592xf32, #tpu.memory_space<vmem_shared>>) target_semaphore(%run_scoped3A : memref<!tpu.dma_semaphore, #tpu.memory_space<semaphore_mem>>)
        %dma_wait3A_115 = arith.constant 0 : i32
        %dma_wait3A_116 = arith.constant 62592 : i32
        %dma_wait3A_117 = tpu.memref_slice %arg6[%dma_wait3A_115, %dma_wait3A_116] : memref<1x1000000xf32, #tpu.memory_space<vmem_shared>> -> memref<1x62592xf32, #tpu.memory_space<vmem_shared>>
        %dma_wait3A_118 = arith.constant 0 : i32
        %dma_wait3A_119 = arith.constant 62592 : i32
        %dma_wait3A_120 = tpu.memref_slice %arg3[%dma_wait3A_118, %dma_wait3A_119] : memref<1x1000000xf32, #tpu.memory_space<hbm>> -> memref<1x62592xf32, #tpu.memory_space<hbm>>
        tpu.wait_dma2 semaphore(%run_scoped3A : memref<!tpu.dma_semaphore, #tpu.memory_space<semaphore_mem>>) src(%dma_wait3A_120 : memref<1x62592xf32, #tpu.memory_space<hbm>>) dst(%dma_wait3A_117 : memref<1x62592xf32, #tpu.memory_space<vmem_shared>>)
        tpu.yield
      }) : () -> ()
    } else {
    }
    %eq3A_13 = arith.constant 2 : i32
    %eq3A_14 = arith.cmpi eq, %arg1, %eq3A_13 : i32
    %convert_element_type3A_15 = arith.extui %eq3A_14 : i1 to i32
    %cond3A_16 = arith.constant 0 : i32
    %cond3A_17 = arith.cmpi ne, %convert_element_type3A_15, %cond3A_16 : i32
    scf.if %cond3A_17 {
      "tpu.region"() ({
        %run_scoped3A = tpu.sem_alloc : memref<!tpu.dma_semaphore, #tpu.memory_space<semaphore_mem>>
        %dma_start3A_109 = arith.constant 0 : i32
        %dma_start3A_110 = arith.constant 125184 : i32
        %dma_start3A_111 = tpu.memref_slice %arg6[%dma_start3A_109, %dma_start3A_110] : memref<1x1000000xf32, #tpu.memory_space<vmem_shared>> -> memref<1x62592xf32, #tpu.memory_space<vmem_shared>>
        %dma_start3A_112 = arith.constant 0 : i32
        %dma_start3A_113 = arith.constant 125184 : i32
        %dma_start3A_114 = tpu.memref_slice %arg3[%dma_start3A_112, %dma_start3A_113] : memref<1x1000000xf32, #tpu.memory_space<hbm>> -> memref<1x62592xf32, #tpu.memory_space<hbm>>
        tpu.enqueue_dma source(%dma_start3A_114 : memref<1x62592xf32, #tpu.memory_space<hbm>>) target(%dma_start3A_111 : memref<1x62592xf32, #tpu.memory_space<vmem_shared>>) target_semaphore(%run_scoped3A : memref<!tpu.dma_semaphore, #tpu.memory_space<semaphore_mem>>)
        %dma_wait3A_115 = arith.constant 0 : i32
        %dma_wait3A_116 = arith.constant 125184 : i32
        %dma_wait3A_117 = tpu.memref_slice %arg6[%dma_wait3A_115, %dma_wait3A_116] : memref<1x1000000xf32, #tpu.memory_space<vmem_shared>> -> memref<1x62592xf32, #tpu.memory_space<vmem_shared>>
        %dma_wait3A_118 = arith.constant 0 : i32
        %dma_wait3A_119 = arith.constant 125184 : i32
        %dma_wait3A_120 = tpu.memref_slice %arg3[%dma_wait3A_118, %dma_wait3A_119] : memref<1x1000000xf32, #tpu.memory_space<hbm>> -> memref<1x62592xf32, #tpu.memory_space<hbm>>
        tpu.wait_dma2 semaphore(%run_scoped3A : memref<!tpu.dma_semaphore, #tpu.memory_space<semaphore_mem>>) src(%dma_wait3A_120 : memref<1x62592xf32, #tpu.memory_space<hbm>>) dst(%dma_wait3A_117 : memref<1x62592xf32, #tpu.memory_space<vmem_shared>>)
        tpu.yield
      }) : () -> ()
    } else {
    }
    %eq3A_18 = arith.constant 3 : i32
    %eq3A_19 = arith.cmpi eq, %arg1, %eq3A_18 : i32
    %convert_element_type3A_20 = arith.extui %eq3A_19 : i1 to i32
    %cond3A_21 = arith.constant 0 : i32
    %cond3A_22 = arith.cmpi ne, %convert_element_type3A_20, %cond3A_21 : i32
    scf.if %cond3A_22 {
      "tpu.region"() ({
        %run_scoped3A = tpu.sem_alloc : memref<!tpu.dma_semaphore, #tpu.memory_space<semaphore_mem>>
        %dma_start3A_109 = arith.constant 0 : i32
        %dma_start3A_110 = arith.constant 187776 : i32
        %dma_start3A_111 = tpu.memref_slice %arg6[%dma_start3A_109, %dma_start3A_110] : memref<1x1000000xf32, #tpu.memory_space<vmem_shared>> -> memref<1x62592xf32, #tpu.memory_space<vmem_shared>>
        %dma_start3A_112 = arith.constant 0 : i32
        %dma_start3A_113 = arith.constant 187776 : i32
        %dma_start3A_114 = tpu.memref_slice %arg3[%dma_start3A_112, %dma_start3A_113] : memref<1x1000000xf32, #tpu.memory_space<hbm>> -> memref<1x62592xf32, #tpu.memory_space<hbm>>
        tpu.enqueue_dma source(%dma_start3A_114 : memref<1x62592xf32, #tpu.memory_space<hbm>>) target(%dma_start3A_111 : memref<1x62592xf32, #tpu.memory_space<vmem_shared>>) target_semaphore(%run_scoped3A : memref<!tpu.dma_semaphore, #tpu.memory_space<semaphore_mem>>)
        %dma_wait3A_115 = arith.constant 0 : i32
        %dma_wait3A_116 = arith.constant 187776 : i32
        %dma_wait3A_117 = tpu.memref_slice %arg6[%dma_wait3A_115, %dma_wait3A_116] : memref<1x1000000xf32, #tpu.memory_space<vmem_shared>> -> memref<1x62592xf32, #tpu.memory_space<vmem_shared>>
        %dma_wait3A_118 = arith.constant 0 : i32
        %dma_wait3A_119 = arith.constant 187776 : i32
        %dma_wait3A_120 = tpu.memref_slice %arg3[%dma_wait3A_118, %dma_wait3A_119] : memref<1x1000000xf32, #tpu.memory_space<hbm>> -> memref<1x62592xf32, #tpu.memory_space<hbm>>
        tpu.wait_dma2 semaphore(%run_scoped3A : memref<!tpu.dma_semaphore, #tpu.memory_space<semaphore_mem>>) src(%dma_wait3A_120 : memref<1x62592xf32, #tpu.memory_space<hbm>>) dst(%dma_wait3A_117 : memref<1x62592xf32, #tpu.memory_space<vmem_shared>>)
        tpu.yield
      }) : () -> ()
    } else {
    }
    %eq3A_23 = arith.constant 4 : i32
    %eq3A_24 = arith.cmpi eq, %arg1, %eq3A_23 : i32
    %convert_element_type3A_25 = arith.extui %eq3A_24 : i1 to i32
    %cond3A_26 = arith.constant 0 : i32
    %cond3A_27 = arith.cmpi ne, %convert_element_type3A_25, %cond3A_26 : i32
    scf.if %cond3A_27 {
      "tpu.region"() ({
        %run_scoped3A = tpu.sem_alloc : memref<!tpu.dma_semaphore, #tpu.memory_space<semaphore_mem>>
        %dma_start3A_109 = arith.constant 0 : i32
        %dma_start3A_110 = arith.constant 250368 : i32
        %dma_start3A_111 = tpu.memref_slice %arg6[%dma_start3A_109, %dma_start3A_110] : memref<1x1000000xf32, #tpu.memory_space<vmem_shared>> -> memref<1x62592xf32, #tpu.memory_space<vmem_shared>>
        %dma_start3A_112 = arith.constant 0 : i32
        %dma_start3A_113 = arith.constant 250368 : i32
        %dma_start3A_114 = tpu.memref_slice %arg3[%dma_start3A_112, %dma_start3A_113] : memref<1x1000000xf32, #tpu.memory_space<hbm>> -> memref<1x62592xf32, #tpu.memory_space<hbm>>
        tpu.enqueue_dma source(%dma_start3A_114 : memref<1x62592xf32, #tpu.memory_space<hbm>>) target(%dma_start3A_111 : memref<1x62592xf32, #tpu.memory_space<vmem_shared>>) target_semaphore(%run_scoped3A : memref<!tpu.dma_semaphore, #tpu.memory_space<semaphore_mem>>)
        %dma_wait3A_115 = arith.constant 0 : i32
        %dma_wait3A_116 = arith.constant 250368 : i32
        %dma_wait3A_117 = tpu.memref_slice %arg6[%dma_wait3A_115, %dma_wait3A_116] : memref<1x1000000xf32, #tpu.memory_space<vmem_shared>> -> memref<1x62592xf32, #tpu.memory_space<vmem_shared>>
        %dma_wait3A_118 = arith.constant 0 : i32
        %dma_wait3A_119 = arith.constant 250368 : i32
        %dma_wait3A_120 = tpu.memref_slice %arg3[%dma_wait3A_118, %dma_wait3A_119] : memref<1x1000000xf32, #tpu.memory_space<hbm>> -> memref<1x62592xf32, #tpu.memory_space<hbm>>
        tpu.wait_dma2 semaphore(%run_scoped3A : memref<!tpu.dma_semaphore, #tpu.memory_space<semaphore_mem>>) src(%dma_wait3A_120 : memref<1x62592xf32, #tpu.memory_space<hbm>>) dst(%dma_wait3A_117 : memref<1x62592xf32, #tpu.memory_space<vmem_shared>>)
        tpu.yield
      }) : () -> ()
    } else {
    }
    %eq3A_28 = arith.constant 5 : i32
    %eq3A_29 = arith.cmpi eq, %arg1, %eq3A_28 : i32
    %convert_element_type3A_30 = arith.extui %eq3A_29 : i1 to i32
    %cond3A_31 = arith.constant 0 : i32
    %cond3A_32 = arith.cmpi ne, %convert_element_type3A_30, %cond3A_31 : i32
    scf.if %cond3A_32 {
      "tpu.region"() ({
        %run_scoped3A = tpu.sem_alloc : memref<!tpu.dma_semaphore, #tpu.memory_space<semaphore_mem>>
        %dma_start3A_109 = arith.constant 0 : i32
        %dma_start3A_110 = arith.constant 312960 : i32
        %dma_start3A_111 = tpu.memref_slice %arg6[%dma_start3A_109, %dma_start3A_110] : memref<1x1000000xf32, #tpu.memory_space<vmem_shared>> -> memref<1x62592xf32, #tpu.memory_space<vmem_shared>>
        %dma_start3A_112 = arith.constant 0 : i32
        %dma_start3A_113 = arith.constant 312960 : i32
        %dma_start3A_114 = tpu.memref_slice %arg3[%dma_start3A_112, %dma_start3A_113] : memref<1x1000000xf32, #tpu.memory_space<hbm>> -> memref<1x62592xf32, #tpu.memory_space<hbm>>
        tpu.enqueue_dma source(%dma_start3A_114 : memref<1x62592xf32, #tpu.memory_space<hbm>>) target(%dma_start3A_111 : memref<1x62592xf32, #tpu.memory_space<vmem_shared>>) target_semaphore(%run_scoped3A : memref<!tpu.dma_semaphore, #tpu.memory_space<semaphore_mem>>)
        %dma_wait3A_115 = arith.constant 0 : i32
        %dma_wait3A_116 = arith.constant 312960 : i32
        %dma_wait3A_117 = tpu.memref_slice %arg6[%dma_wait3A_115, %dma_wait3A_116] : memref<1x1000000xf32, #tpu.memory_space<vmem_shared>> -> memref<1x62592xf32, #tpu.memory_space<vmem_shared>>
        %dma_wait3A_118 = arith.constant 0 : i32
        %dma_wait3A_119 = arith.constant 312960 : i32
        %dma_wait3A_120 = tpu.memref_slice %arg3[%dma_wait3A_118, %dma_wait3A_119] : memref<1x1000000xf32, #tpu.memory_space<hbm>> -> memref<1x62592xf32, #tpu.memory_space<hbm>>
        tpu.wait_dma2 semaphore(%run_scoped3A : memref<!tpu.dma_semaphore, #tpu.memory_space<semaphore_mem>>) src(%dma_wait3A_120 : memref<1x62592xf32, #tpu.memory_space<hbm>>) dst(%dma_wait3A_117 : memref<1x62592xf32, #tpu.memory_space<vmem_shared>>)
        tpu.yield
      }) : () -> ()
    } else {
    }
    %eq3A_33 = arith.constant 6 : i32
    %eq3A_34 = arith.cmpi eq, %arg1, %eq3A_33 : i32
    %convert_element_type3A_35 = arith.extui %eq3A_34 : i1 to i32
    %cond3A_36 = arith.constant 0 : i32
    %cond3A_37 = arith.cmpi ne, %convert_element_type3A_35, %cond3A_36 : i32
    scf.if %cond3A_37 {
      "tpu.region"() ({
        %run_scoped3A = tpu.sem_alloc : memref<!tpu.dma_semaphore, #tpu.memory_space<semaphore_mem>>
        %dma_start3A_109 = arith.constant 0 : i32
        %dma_start3A_110 = arith.constant 375552 : i32
        %dma_start3A_111 = tpu.memref_slice %arg6[%dma_start3A_109, %dma_start3A_110] : memref<1x1000000xf32, #tpu.memory_space<vmem_shared>> -> memref<1x62592xf32, #tpu.memory_space<vmem_shared>>
        %dma_start3A_112 = arith.constant 0 : i32
        %dma_start3A_113 = arith.constant 375552 : i32
        %dma_start3A_114 = tpu.memref_slice %arg3[%dma_start3A_112, %dma_start3A_113] : memref<1x1000000xf32, #tpu.memory_space<hbm>> -> memref<1x62592xf32, #tpu.memory_space<hbm>>
        tpu.enqueue_dma source(%dma_start3A_114 : memref<1x62592xf32, #tpu.memory_space<hbm>>) target(%dma_start3A_111 : memref<1x62592xf32, #tpu.memory_space<vmem_shared>>) target_semaphore(%run_scoped3A : memref<!tpu.dma_semaphore, #tpu.memory_space<semaphore_mem>>)
        %dma_wait3A_115 = arith.constant 0 : i32
        %dma_wait3A_116 = arith.constant 375552 : i32
        %dma_wait3A_117 = tpu.memref_slice %arg6[%dma_wait3A_115, %dma_wait3A_116] : memref<1x1000000xf32, #tpu.memory_space<vmem_shared>> -> memref<1x62592xf32, #tpu.memory_space<vmem_shared>>
        %dma_wait3A_118 = arith.constant 0 : i32
        %dma_wait3A_119 = arith.constant 375552 : i32
        %dma_wait3A_120 = tpu.memref_slice %arg3[%dma_wait3A_118, %dma_wait3A_119] : memref<1x1000000xf32, #tpu.memory_space<hbm>> -> memref<1x62592xf32, #tpu.memory_space<hbm>>
        tpu.wait_dma2 semaphore(%run_scoped3A : memref<!tpu.dma_semaphore, #tpu.memory_space<semaphore_mem>>) src(%dma_wait3A_120 : memref<1x62592xf32, #tpu.memory_space<hbm>>) dst(%dma_wait3A_117 : memref<1x62592xf32, #tpu.memory_space<vmem_shared>>)
        tpu.yield
      }) : () -> ()
    } else {
    }
    %eq3A_38 = arith.constant 7 : i32
    %eq3A_39 = arith.cmpi eq, %arg1, %eq3A_38 : i32
    %convert_element_type3A_40 = arith.extui %eq3A_39 : i1 to i32
    %cond3A_41 = arith.constant 0 : i32
    %cond3A_42 = arith.cmpi ne, %convert_element_type3A_40, %cond3A_41 : i32
    scf.if %cond3A_42 {
      "tpu.region"() ({
        %run_scoped3A = tpu.sem_alloc : memref<!tpu.dma_semaphore, #tpu.memory_space<semaphore_mem>>
        %dma_start3A_109 = arith.constant 0 : i32
        %dma_start3A_110 = arith.constant 438144 : i32
        %dma_start3A_111 = tpu.memref_slice %arg6[%dma_start3A_109, %dma_start3A_110] : memref<1x1000000xf32, #tpu.memory_space<vmem_shared>> -> memref<1x62592xf32, #tpu.memory_space<vmem_shared>>
        %dma_start3A_112 = arith.constant 0 : i32
        %dma_start3A_113 = arith.constant 438144 : i32
        %dma_start3A_114 = tpu.memref_slice %arg3[%dma_start3A_112, %dma_start3A_113] : memref<1x1000000xf32, #tpu.memory_space<hbm>> -> memref<1x62592xf32, #tpu.memory_space<hbm>>
        tpu.enqueue_dma source(%dma_start3A_114 : memref<1x62592xf32, #tpu.memory_space<hbm>>) target(%dma_start3A_111 : memref<1x62592xf32, #tpu.memory_space<vmem_shared>>) target_semaphore(%run_scoped3A : memref<!tpu.dma_semaphore, #tpu.memory_space<semaphore_mem>>)
        %dma_wait3A_115 = arith.constant 0 : i32
        %dma_wait3A_116 = arith.constant 438144 : i32
        %dma_wait3A_117 = tpu.memref_slice %arg6[%dma_wait3A_115, %dma_wait3A_116] : memref<1x1000000xf32, #tpu.memory_space<vmem_shared>> -> memref<1x62592xf32, #tpu.memory_space<vmem_shared>>
        %dma_wait3A_118 = arith.constant 0 : i32
        %dma_wait3A_119 = arith.constant 438144 : i32
        %dma_wait3A_120 = tpu.memref_slice %arg3[%dma_wait3A_118, %dma_wait3A_119] : memref<1x1000000xf32, #tpu.memory_space<hbm>> -> memref<1x62592xf32, #tpu.memory_space<hbm>>
        tpu.wait_dma2 semaphore(%run_scoped3A : memref<!tpu.dma_semaphore, #tpu.memory_space<semaphore_mem>>) src(%dma_wait3A_120 : memref<1x62592xf32, #tpu.memory_space<hbm>>) dst(%dma_wait3A_117 : memref<1x62592xf32, #tpu.memory_space<vmem_shared>>)
        tpu.yield
      }) : () -> ()
    } else {
    }
    %eq3A_43 = arith.constant 8 : i32
    %eq3A_44 = arith.cmpi eq, %arg1, %eq3A_43 : i32
    %convert_element_type3A_45 = arith.extui %eq3A_44 : i1 to i32
    %cond3A_46 = arith.constant 0 : i32
    %cond3A_47 = arith.cmpi ne, %convert_element_type3A_45, %cond3A_46 : i32
    scf.if %cond3A_47 {
      "tpu.region"() ({
        %run_scoped3A = tpu.sem_alloc : memref<!tpu.dma_semaphore, #tpu.memory_space<semaphore_mem>>
        %dma_start3A_109 = arith.constant 0 : i32
        %dma_start3A_110 = arith.constant 500736 : i32
        %dma_start3A_111 = tpu.memref_slice %arg6[%dma_start3A_109, %dma_start3A_110] : memref<1x1000000xf32, #tpu.memory_space<vmem_shared>> -> memref<1x62592xf32, #tpu.memory_space<vmem_shared>>
        %dma_start3A_112 = arith.constant 0 : i32
        %dma_start3A_113 = arith.constant 500736 : i32
        %dma_start3A_114 = tpu.memref_slice %arg3[%dma_start3A_112, %dma_start3A_113] : memref<1x1000000xf32, #tpu.memory_space<hbm>> -> memref<1x62592xf32, #tpu.memory_space<hbm>>
        tpu.enqueue_dma source(%dma_start3A_114 : memref<1x62592xf32, #tpu.memory_space<hbm>>) target(%dma_start3A_111 : memref<1x62592xf32, #tpu.memory_space<vmem_shared>>) target_semaphore(%run_scoped3A : memref<!tpu.dma_semaphore, #tpu.memory_space<semaphore_mem>>)
        %dma_wait3A_115 = arith.constant 0 : i32
        %dma_wait3A_116 = arith.constant 500736 : i32
        %dma_wait3A_117 = tpu.memref_slice %arg6[%dma_wait3A_115, %dma_wait3A_116] : memref<1x1000000xf32, #tpu.memory_space<vmem_shared>> -> memref<1x62592xf32, #tpu.memory_space<vmem_shared>>
        %dma_wait3A_118 = arith.constant 0 : i32
        %dma_wait3A_119 = arith.constant 500736 : i32
        %dma_wait3A_120 = tpu.memref_slice %arg3[%dma_wait3A_118, %dma_wait3A_119] : memref<1x1000000xf32, #tpu.memory_space<hbm>> -> memref<1x62592xf32, #tpu.memory_space<hbm>>
        tpu.wait_dma2 semaphore(%run_scoped3A : memref<!tpu.dma_semaphore, #tpu.memory_space<semaphore_mem>>) src(%dma_wait3A_120 : memref<1x62592xf32, #tpu.memory_space<hbm>>) dst(%dma_wait3A_117 : memref<1x62592xf32, #tpu.memory_space<vmem_shared>>)
        tpu.yield
      }) : () -> ()
    } else {
    }
    %eq3A_48 = arith.constant 9 : i32
    %eq3A_49 = arith.cmpi eq, %arg1, %eq3A_48 : i32
    %convert_element_type3A_50 = arith.extui %eq3A_49 : i1 to i32
    %cond3A_51 = arith.constant 0 : i32
    %cond3A_52 = arith.cmpi ne, %convert_element_type3A_50, %cond3A_51 : i32
    scf.if %cond3A_52 {
      "tpu.region"() ({
        %run_scoped3A = tpu.sem_alloc : memref<!tpu.dma_semaphore, #tpu.memory_space<semaphore_mem>>
        %dma_start3A_109 = arith.constant 0 : i32
        %dma_start3A_110 = arith.constant 563328 : i32
        %dma_start3A_111 = tpu.memref_slice %arg6[%dma_start3A_109, %dma_start3A_110] : memref<1x1000000xf32, #tpu.memory_space<vmem_shared>> -> memref<1x62592xf32, #tpu.memory_space<vmem_shared>>
        %dma_start3A_112 = arith.constant 0 : i32
        %dma_start3A_113 = arith.constant 563328 : i32
        %dma_start3A_114 = tpu.memref_slice %arg3[%dma_start3A_112, %dma_start3A_113] : memref<1x1000000xf32, #tpu.memory_space<hbm>> -> memref<1x62592xf32, #tpu.memory_space<hbm>>
        tpu.enqueue_dma source(%dma_start3A_114 : memref<1x62592xf32, #tpu.memory_space<hbm>>) target(%dma_start3A_111 : memref<1x62592xf32, #tpu.memory_space<vmem_shared>>) target_semaphore(%run_scoped3A : memref<!tpu.dma_semaphore, #tpu.memory_space<semaphore_mem>>)
        %dma_wait3A_115 = arith.constant 0 : i32
        %dma_wait3A_116 = arith.constant 563328 : i32
        %dma_wait3A_117 = tpu.memref_slice %arg6[%dma_wait3A_115, %dma_wait3A_116] : memref<1x1000000xf32, #tpu.memory_space<vmem_shared>> -> memref<1x62592xf32, #tpu.memory_space<vmem_shared>>
        %dma_wait3A_118 = arith.constant 0 : i32
        %dma_wait3A_119 = arith.constant 563328 : i32
        %dma_wait3A_120 = tpu.memref_slice %arg3[%dma_wait3A_118, %dma_wait3A_119] : memref<1x1000000xf32, #tpu.memory_space<hbm>> -> memref<1x62592xf32, #tpu.memory_space<hbm>>
        tpu.wait_dma2 semaphore(%run_scoped3A : memref<!tpu.dma_semaphore, #tpu.memory_space<semaphore_mem>>) src(%dma_wait3A_120 : memref<1x62592xf32, #tpu.memory_space<hbm>>) dst(%dma_wait3A_117 : memref<1x62592xf32, #tpu.memory_space<vmem_shared>>)
        tpu.yield
      }) : () -> ()
    } else {
    }
    %eq3A_53 = arith.constant 10 : i32
    %eq3A_54 = arith.cmpi eq, %arg1, %eq3A_53 : i32
    %convert_element_type3A_55 = arith.extui %eq3A_54 : i1 to i32
    %cond3A_56 = arith.constant 0 : i32
    %cond3A_57 = arith.cmpi ne, %convert_element_type3A_55, %cond3A_56 : i32
    scf.if %cond3A_57 {
      "tpu.region"() ({
        %run_scoped3A = tpu.sem_alloc : memref<!tpu.dma_semaphore, #tpu.memory_space<semaphore_mem>>
        %dma_start3A_109 = arith.constant 0 : i32
        %dma_start3A_110 = arith.constant 625920 : i32
        %dma_start3A_111 = tpu.memref_slice %arg6[%dma_start3A_109, %dma_start3A_110] : memref<1x1000000xf32, #tpu.memory_space<vmem_shared>> -> memref<1x62592xf32, #tpu.memory_space<vmem_shared>>
        %dma_start3A_112 = arith.constant 0 : i32
        %dma_start3A_113 = arith.constant 625920 : i32
        %dma_start3A_114 = tpu.memref_slice %arg3[%dma_start3A_112, %dma_start3A_113] : memref<1x1000000xf32, #tpu.memory_space<hbm>> -> memref<1x62592xf32, #tpu.memory_space<hbm>>
        tpu.enqueue_dma source(%dma_start3A_114 : memref<1x62592xf32, #tpu.memory_space<hbm>>) target(%dma_start3A_111 : memref<1x62592xf32, #tpu.memory_space<vmem_shared>>) target_semaphore(%run_scoped3A : memref<!tpu.dma_semaphore, #tpu.memory_space<semaphore_mem>>)
        %dma_wait3A_115 = arith.constant 0 : i32
        %dma_wait3A_116 = arith.constant 625920 : i32
        %dma_wait3A_117 = tpu.memref_slice %arg6[%dma_wait3A_115, %dma_wait3A_116] : memref<1x1000000xf32, #tpu.memory_space<vmem_shared>> -> memref<1x62592xf32, #tpu.memory_space<vmem_shared>>
        %dma_wait3A_118 = arith.constant 0 : i32
        %dma_wait3A_119 = arith.constant 625920 : i32
        %dma_wait3A_120 = tpu.memref_slice %arg3[%dma_wait3A_118, %dma_wait3A_119] : memref<1x1000000xf32, #tpu.memory_space<hbm>> -> memref<1x62592xf32, #tpu.memory_space<hbm>>
        tpu.wait_dma2 semaphore(%run_scoped3A : memref<!tpu.dma_semaphore, #tpu.memory_space<semaphore_mem>>) src(%dma_wait3A_120 : memref<1x62592xf32, #tpu.memory_space<hbm>>) dst(%dma_wait3A_117 : memref<1x62592xf32, #tpu.memory_space<vmem_shared>>)
        tpu.yield
      }) : () -> ()
    } else {
    }
    %eq3A_58 = arith.constant 11 : i32
    %eq3A_59 = arith.cmpi eq, %arg1, %eq3A_58 : i32
    %convert_element_type3A_60 = arith.extui %eq3A_59 : i1 to i32
    %cond3A_61 = arith.constant 0 : i32
    %cond3A_62 = arith.cmpi ne, %convert_element_type3A_60, %cond3A_61 : i32
    scf.if %cond3A_62 {
      "tpu.region"() ({
        %run_scoped3A = tpu.sem_alloc : memref<!tpu.dma_semaphore, #tpu.memory_space<semaphore_mem>>
        %dma_start3A_109 = arith.constant 0 : i32
        %dma_start3A_110 = arith.constant 688512 : i32
        %dma_start3A_111 = tpu.memref_slice %arg6[%dma_start3A_109, %dma_start3A_110] : memref<1x1000000xf32, #tpu.memory_space<vmem_shared>> -> memref<1x62592xf32, #tpu.memory_space<vmem_shared>>
        %dma_start3A_112 = arith.constant 0 : i32
        %dma_start3A_113 = arith.constant 688512 : i32
        %dma_start3A_114 = tpu.memref_slice %arg3[%dma_start3A_112, %dma_start3A_113] : memref<1x1000000xf32, #tpu.memory_space<hbm>> -> memref<1x62592xf32, #tpu.memory_space<hbm>>
        tpu.enqueue_dma source(%dma_start3A_114 : memref<1x62592xf32, #tpu.memory_space<hbm>>) target(%dma_start3A_111 : memref<1x62592xf32, #tpu.memory_space<vmem_shared>>) target_semaphore(%run_scoped3A : memref<!tpu.dma_semaphore, #tpu.memory_space<semaphore_mem>>)
        %dma_wait3A_115 = arith.constant 0 : i32
        %dma_wait3A_116 = arith.constant 688512 : i32
        %dma_wait3A_117 = tpu.memref_slice %arg6[%dma_wait3A_115, %dma_wait3A_116] : memref<1x1000000xf32, #tpu.memory_space<vmem_shared>> -> memref<1x62592xf32, #tpu.memory_space<vmem_shared>>
        %dma_wait3A_118 = arith.constant 0 : i32
        %dma_wait3A_119 = arith.constant 688512 : i32
        %dma_wait3A_120 = tpu.memref_slice %arg3[%dma_wait3A_118, %dma_wait3A_119] : memref<1x1000000xf32, #tpu.memory_space<hbm>> -> memref<1x62592xf32, #tpu.memory_space<hbm>>
        tpu.wait_dma2 semaphore(%run_scoped3A : memref<!tpu.dma_semaphore, #tpu.memory_space<semaphore_mem>>) src(%dma_wait3A_120 : memref<1x62592xf32, #tpu.memory_space<hbm>>) dst(%dma_wait3A_117 : memref<1x62592xf32, #tpu.memory_space<vmem_shared>>)
        tpu.yield
      }) : () -> ()
    } else {
    }
    %eq3A_63 = arith.constant 12 : i32
    %eq3A_64 = arith.cmpi eq, %arg1, %eq3A_63 : i32
    %convert_element_type3A_65 = arith.extui %eq3A_64 : i1 to i32
    %cond3A_66 = arith.constant 0 : i32
    %cond3A_67 = arith.cmpi ne, %convert_element_type3A_65, %cond3A_66 : i32
    scf.if %cond3A_67 {
      "tpu.region"() ({
        %run_scoped3A = tpu.sem_alloc : memref<!tpu.dma_semaphore, #tpu.memory_space<semaphore_mem>>
        %dma_start3A_109 = arith.constant 0 : i32
        %dma_start3A_110 = arith.constant 751104 : i32
        %dma_start3A_111 = tpu.memref_slice %arg6[%dma_start3A_109, %dma_start3A_110] : memref<1x1000000xf32, #tpu.memory_space<vmem_shared>> -> memref<1x62592xf32, #tpu.memory_space<vmem_shared>>
        %dma_start3A_112 = arith.constant 0 : i32
        %dma_start3A_113 = arith.constant 751104 : i32
        %dma_start3A_114 = tpu.memref_slice %arg3[%dma_start3A_112, %dma_start3A_113] : memref<1x1000000xf32, #tpu.memory_space<hbm>> -> memref<1x62592xf32, #tpu.memory_space<hbm>>
        tpu.enqueue_dma source(%dma_start3A_114 : memref<1x62592xf32, #tpu.memory_space<hbm>>) target(%dma_start3A_111 : memref<1x62592xf32, #tpu.memory_space<vmem_shared>>) target_semaphore(%run_scoped3A : memref<!tpu.dma_semaphore, #tpu.memory_space<semaphore_mem>>)
        %dma_wait3A_115 = arith.constant 0 : i32
        %dma_wait3A_116 = arith.constant 751104 : i32
        %dma_wait3A_117 = tpu.memref_slice %arg6[%dma_wait3A_115, %dma_wait3A_116] : memref<1x1000000xf32, #tpu.memory_space<vmem_shared>> -> memref<1x62592xf32, #tpu.memory_space<vmem_shared>>
        %dma_wait3A_118 = arith.constant 0 : i32
        %dma_wait3A_119 = arith.constant 751104 : i32
        %dma_wait3A_120 = tpu.memref_slice %arg3[%dma_wait3A_118, %dma_wait3A_119] : memref<1x1000000xf32, #tpu.memory_space<hbm>> -> memref<1x62592xf32, #tpu.memory_space<hbm>>
        tpu.wait_dma2 semaphore(%run_scoped3A : memref<!tpu.dma_semaphore, #tpu.memory_space<semaphore_mem>>) src(%dma_wait3A_120 : memref<1x62592xf32, #tpu.memory_space<hbm>>) dst(%dma_wait3A_117 : memref<1x62592xf32, #tpu.memory_space<vmem_shared>>)
        tpu.yield
      }) : () -> ()
    } else {
    }
    %eq3A_68 = arith.constant 13 : i32
    %eq3A_69 = arith.cmpi eq, %arg1, %eq3A_68 : i32
    %convert_element_type3A_70 = arith.extui %eq3A_69 : i1 to i32
    %cond3A_71 = arith.constant 0 : i32
    %cond3A_72 = arith.cmpi ne, %convert_element_type3A_70, %cond3A_71 : i32
    scf.if %cond3A_72 {
      "tpu.region"() ({
        %run_scoped3A = tpu.sem_alloc : memref<!tpu.dma_semaphore, #tpu.memory_space<semaphore_mem>>
        %dma_start3A_109 = arith.constant 0 : i32
        %dma_start3A_110 = arith.constant 813696 : i32
        %dma_start3A_111 = tpu.memref_slice %arg6[%dma_start3A_109, %dma_start3A_110] : memref<1x1000000xf32, #tpu.memory_space<vmem_shared>> -> memref<1x62592xf32, #tpu.memory_space<vmem_shared>>
        %dma_start3A_112 = arith.constant 0 : i32
        %dma_start3A_113 = arith.constant 813696 : i32
        %dma_start3A_114 = tpu.memref_slice %arg3[%dma_start3A_112, %dma_start3A_113] : memref<1x1000000xf32, #tpu.memory_space<hbm>> -> memref<1x62592xf32, #tpu.memory_space<hbm>>
        tpu.enqueue_dma source(%dma_start3A_114 : memref<1x62592xf32, #tpu.memory_space<hbm>>) target(%dma_start3A_111 : memref<1x62592xf32, #tpu.memory_space<vmem_shared>>) target_semaphore(%run_scoped3A : memref<!tpu.dma_semaphore, #tpu.memory_space<semaphore_mem>>)
        %dma_wait3A_115 = arith.constant 0 : i32
        %dma_wait3A_116 = arith.constant 813696 : i32
        %dma_wait3A_117 = tpu.memref_slice %arg6[%dma_wait3A_115, %dma_wait3A_116] : memref<1x1000000xf32, #tpu.memory_space<vmem_shared>> -> memref<1x62592xf32, #tpu.memory_space<vmem_shared>>
        %dma_wait3A_118 = arith.constant 0 : i32
        %dma_wait3A_119 = arith.constant 813696 : i32
        %dma_wait3A_120 = tpu.memref_slice %arg3[%dma_wait3A_118, %dma_wait3A_119] : memref<1x1000000xf32, #tpu.memory_space<hbm>> -> memref<1x62592xf32, #tpu.memory_space<hbm>>
        tpu.wait_dma2 semaphore(%run_scoped3A : memref<!tpu.dma_semaphore, #tpu.memory_space<semaphore_mem>>) src(%dma_wait3A_120 : memref<1x62592xf32, #tpu.memory_space<hbm>>) dst(%dma_wait3A_117 : memref<1x62592xf32, #tpu.memory_space<vmem_shared>>)
        tpu.yield
      }) : () -> ()
    } else {
    }
    %eq3A_73 = arith.constant 14 : i32
    %eq3A_74 = arith.cmpi eq, %arg1, %eq3A_73 : i32
    %convert_element_type3A_75 = arith.extui %eq3A_74 : i1 to i32
    %cond3A_76 = arith.constant 0 : i32
    %cond3A_77 = arith.cmpi ne, %convert_element_type3A_75, %cond3A_76 : i32
    scf.if %cond3A_77 {
      "tpu.region"() ({
        %run_scoped3A = tpu.sem_alloc : memref<!tpu.dma_semaphore, #tpu.memory_space<semaphore_mem>>
        %dma_start3A_109 = arith.constant 0 : i32
        %dma_start3A_110 = arith.constant 876288 : i32
        %dma_start3A_111 = tpu.memref_slice %arg6[%dma_start3A_109, %dma_start3A_110] : memref<1x1000000xf32, #tpu.memory_space<vmem_shared>> -> memref<1x62592xf32, #tpu.memory_space<vmem_shared>>
        %dma_start3A_112 = arith.constant 0 : i32
        %dma_start3A_113 = arith.constant 876288 : i32
        %dma_start3A_114 = tpu.memref_slice %arg3[%dma_start3A_112, %dma_start3A_113] : memref<1x1000000xf32, #tpu.memory_space<hbm>> -> memref<1x62592xf32, #tpu.memory_space<hbm>>
        tpu.enqueue_dma source(%dma_start3A_114 : memref<1x62592xf32, #tpu.memory_space<hbm>>) target(%dma_start3A_111 : memref<1x62592xf32, #tpu.memory_space<vmem_shared>>) target_semaphore(%run_scoped3A : memref<!tpu.dma_semaphore, #tpu.memory_space<semaphore_mem>>)
        %dma_wait3A_115 = arith.constant 0 : i32
        %dma_wait3A_116 = arith.constant 876288 : i32
        %dma_wait3A_117 = tpu.memref_slice %arg6[%dma_wait3A_115, %dma_wait3A_116] : memref<1x1000000xf32, #tpu.memory_space<vmem_shared>> -> memref<1x62592xf32, #tpu.memory_space<vmem_shared>>
        %dma_wait3A_118 = arith.constant 0 : i32
        %dma_wait3A_119 = arith.constant 876288 : i32
        %dma_wait3A_120 = tpu.memref_slice %arg3[%dma_wait3A_118, %dma_wait3A_119] : memref<1x1000000xf32, #tpu.memory_space<hbm>> -> memref<1x62592xf32, #tpu.memory_space<hbm>>
        tpu.wait_dma2 semaphore(%run_scoped3A : memref<!tpu.dma_semaphore, #tpu.memory_space<semaphore_mem>>) src(%dma_wait3A_120 : memref<1x62592xf32, #tpu.memory_space<hbm>>) dst(%dma_wait3A_117 : memref<1x62592xf32, #tpu.memory_space<vmem_shared>>)
        tpu.yield
      }) : () -> ()
    } else {
    }
    %eq3A_78 = arith.constant 15 : i32
    %eq3A_79 = arith.cmpi eq, %arg1, %eq3A_78 : i32
    %convert_element_type3A_80 = arith.extui %eq3A_79 : i1 to i32
    %cond3A_81 = arith.constant 0 : i32
    %cond3A_82 = arith.cmpi ne, %convert_element_type3A_80, %cond3A_81 : i32
    scf.if %cond3A_82 {
      "tpu.region"() ({
        %run_scoped3A = tpu.sem_alloc : memref<!tpu.dma_semaphore, #tpu.memory_space<semaphore_mem>>
        %dma_start3A_109 = arith.constant 0 : i32
        %dma_start3A_110 = arith.constant 938880 : i32
        %dma_start3A_111 = tpu.memref_slice %arg6[%dma_start3A_109, %dma_start3A_110] : memref<1x1000000xf32, #tpu.memory_space<vmem_shared>> -> memref<1x61120xf32, #tpu.memory_space<vmem_shared>>
        %dma_start3A_112 = arith.constant 0 : i32
        %dma_start3A_113 = arith.constant 938880 : i32
        %dma_start3A_114 = tpu.memref_slice %arg3[%dma_start3A_112, %dma_start3A_113] : memref<1x1000000xf32, #tpu.memory_space<hbm>> -> memref<1x61120xf32, #tpu.memory_space<hbm>>
        tpu.enqueue_dma source(%dma_start3A_114 : memref<1x61120xf32, #tpu.memory_space<hbm>>) target(%dma_start3A_111 : memref<1x61120xf32, #tpu.memory_space<vmem_shared>>) target_semaphore(%run_scoped3A : memref<!tpu.dma_semaphore, #tpu.memory_space<semaphore_mem>>)
        %dma_wait3A_115 = arith.constant 0 : i32
        %dma_wait3A_116 = arith.constant 938880 : i32
        %dma_wait3A_117 = tpu.memref_slice %arg6[%dma_wait3A_115, %dma_wait3A_116] : memref<1x1000000xf32, #tpu.memory_space<vmem_shared>> -> memref<1x61120xf32, #tpu.memory_space<vmem_shared>>
        %dma_wait3A_118 = arith.constant 0 : i32
        %dma_wait3A_119 = arith.constant 938880 : i32
        %dma_wait3A_120 = tpu.memref_slice %arg3[%dma_wait3A_118, %dma_wait3A_119] : memref<1x1000000xf32, #tpu.memory_space<hbm>> -> memref<1x61120xf32, #tpu.memory_space<hbm>>
        tpu.wait_dma2 semaphore(%run_scoped3A : memref<!tpu.dma_semaphore, #tpu.memory_space<semaphore_mem>>) src(%dma_wait3A_120 : memref<1x61120xf32, #tpu.memory_space<hbm>>) dst(%dma_wait3A_117 : memref<1x61120xf32, #tpu.memory_space<vmem_shared>>)
        tpu.yield
      }) : () -> ()
    } else {
    }
    %barrier3A = arith.constant 0 : index
    tpu.barrier barrier_id(%barrier3A)
    %dma_wait3A = arith.constant 0 : i32
    %dma_wait3A_83 = tpu.memref_slice %arg2[%add3A, %dma_wait3A] : memref<32x13312xi32, #tpu.memory_space<hbm>> -> memref<1x13312xi32, #tpu.memory_space<hbm>>
    %dma_wait3A_84 = tpu.memref_squeeze %dma_wait3A_83 : memref<1x13312xi32, #tpu.memory_space<hbm>> -> memref<13312xi32, #tpu.memory_space<hbm>>
    %dma_wait3A_85 = arith.constant 0 : i32
    %dma_wait3A_86 = tpu.memref_slice %arg2[%add3A, %dma_wait3A_85] : memref<32x13312xi32, #tpu.memory_space<hbm>> -> memref<1x13312xi32, #tpu.memory_space<hbm>>
    %dma_wait3A_87 = tpu.memref_squeeze %dma_wait3A_86 : memref<1x13312xi32, #tpu.memory_space<hbm>> -> memref<13312xi32, #tpu.memory_space<hbm>>
    tpu.wait_dma2 semaphore(%arg11 : memref<!tpu.dma_semaphore, #tpu.memory_space<semaphore_mem>>) src(%dma_wait3A_87 : memref<13312xi32, #tpu.memory_space<hbm>>) dst(%arg7 : memref<13312xi32, #tpu.memory_space<vmem>>)
    %dma_start3A_88 = arith.constant 0 : i32
    %dma_start3A_89 = arith.constant 0 : i32
    %dma_start3A_90 = tpu.memref_slice %arg6[%dma_start3A_88, %dma_start3A_89] : memref<1x1000000xf32, #tpu.memory_space<vmem_shared>> -> memref<1x1000000xf32, #tpu.memory_space<vmem_shared>>
    %dma_start3A_91 = tpu.memref_squeeze %dma_start3A_90 : memref<1x1000000xf32, #tpu.memory_space<vmem_shared>> -> memref<1000000xf32, #tpu.memory_space<vmem_shared>>
    %dma_start3A_92 = arith.constant 0 : i32
    %dma_start3A_93 = tpu.memref_slice %dma_start3A_91[%dma_start3A_92] : memref<1000000xf32, #tpu.memory_space<vmem_shared>> -> memref<1000000xf32, #tpu.memory_space<vmem_shared>>
    tpu.enqueue_indirect_dma source(%dma_start3A_93 : memref<1000000xf32, #tpu.memory_space<vmem_shared>>) target(%arg8 : memref<13312xf32, #tpu.memory_space<vmem>>) offsets(%arg7 : memref<13312xi32, #tpu.memory_space<vmem>>) semaphore(%arg11 : memref<!tpu.dma_semaphore, #tpu.memory_space<semaphore_mem>>)
    %dma_wait3A_94 = arith.constant 0 : i32
    %dma_wait3A_95 = arith.constant 0 : i32
    %dma_wait3A_96 = tpu.memref_slice %arg6[%dma_wait3A_94, %dma_wait3A_95] : memref<1x1000000xf32, #tpu.memory_space<vmem_shared>> -> memref<1x1000000xf32, #tpu.memory_space<vmem_shared>>
    %dma_wait3A_97 = tpu.memref_squeeze %dma_wait3A_96 : memref<1x1000000xf32, #tpu.memory_space<vmem_shared>> -> memref<1000000xf32, #tpu.memory_space<vmem_shared>>
    %dma_wait3A_98 = arith.constant 0 : i32
    %dma_wait3A_99 = tpu.memref_slice %dma_wait3A_97[%dma_wait3A_98] : memref<1000000xf32, #tpu.memory_space<vmem_shared>> -> memref<1000000xf32, #tpu.memory_space<vmem_shared>>
    tpu.wait_indirect_dma semaphore(%arg11 : memref<!tpu.dma_semaphore, #tpu.memory_space<semaphore_mem>>) src(%dma_wait3A_99 : memref<1000000xf32, #tpu.memory_space<vmem_shared>>) dst(%arg8 : memref<13312xf32, #tpu.memory_space<vmem>>)
    %get3A = arith.constant 0 : index
    %get3A_100 = tpu.vector_load %arg10[%get3A] {strides = array<i32>} : memref<16xf32, #tpu.memory_space<vmem>>, vector<16xf32>,
    %get3A_101 = vector.shape_cast %get3A_100 : vector<16xf32> to vector<16xf32>
    %scan3A = arith.constant 0 : i32
    %scan3A_102 = arith.constant 0 : i32
    %scan3A_103 = arith.constant 32 : i32
    %scan3A_104 = arith.addi %scan3A_102, %scan3A_103 : i32
    %scan3A_105 = arith.constant 1 : i32
    scf.for %scan3A_109 = %scan3A_102 to %scan3A_104 step %scan3A_105  : i32 {
      %mul3A_110 = arith.constant 16 : i32
      %mul3A_111 = arith.muli %scan3A_109, %mul3A_110 : i32
      %multiple_of3A_112 = tpu.assume_multiple %mul3A_111, 16 : i32
      %add3A_113 = arith.constant 0 : i32
      %add3A_114 = arith.addi %add3A_113, %multiple_of3A_112 : i32
      %get3A_115 = arith.index_cast %add3A_114 : i32 to index
      %get3A_116 = tpu.vector_load %arg8[%get3A_115] {strides = array<i32>} : memref<13312xf32, #tpu.memory_space<vmem>>, vector<16xf32>,
      %get3A_117 = vector.shape_cast %get3A_116 : vector<16xf32> to vector<16xf32>
      %add3A_118 = arith.addf %get3A_101, %get3A_117 : vector<16xf32>
      %add3A_119 = arith.constant 512 : i32
      %add3A_120 = arith.addi %add3A_119, %multiple_of3A_112 : i32
      %get3A_121 = arith.index_cast %add3A_120 : i32 to index
      %get3A_122 = tpu.vector_load %arg8[%get3A_121] {strides = array<i32>} : memref<13312xf32, #tpu.memory_space<vmem>>, vector<16xf32>,
      %get3A_123 = vector.shape_cast %get3A_122 : vector<16xf32> to vector<16xf32>
      %add3A_124 = arith.addf %add3A_118, %get3A_123 : vector<16xf32>
      %add3A_125 = arith.constant 1024 : i32
      %add3A_126 = arith.addi %add3A_125, %multiple_of3A_112 : i32
      %get3A_127 = arith.index_cast %add3A_126 : i32 to index
      %get3A_128 = tpu.vector_load %arg8[%get3A_127] {strides = array<i32>} : memref<13312xf32, #tpu.memory_space<vmem>>, vector<16xf32>,
      %get3A_129 = vector.shape_cast %get3A_128 : vector<16xf32> to vector<16xf32>
      %add3A_130 = arith.addf %add3A_124, %get3A_129 : vector<16xf32>
      %add3A_131 = arith.constant 1536 : i32
      %add3A_132 = arith.addi %add3A_131, %multiple_of3A_112 : i32
      %get3A_133 = arith.index_cast %add3A_132 : i32 to index
      %get3A_134 = tpu.vector_load %arg8[%get3A_133] {strides = array<i32>} : memref<13312xf32, #tpu.memory_space<vmem>>, vector<16xf32>,
      %get3A_135 = vector.shape_cast %get3A_134 : vector<16xf32> to vector<16xf32>
      %add3A_136 = arith.addf %add3A_130, %get3A_135 : vector<16xf32>
      %add3A_137 = arith.constant 2048 : i32
      %add3A_138 = arith.addi %add3A_137, %multiple_of3A_112 : i32
      %get3A_139 = arith.index_cast %add3A_138 : i32 to index
      %get3A_140 = tpu.vector_load %arg8[%get3A_139] {strides = array<i32>} : memref<13312xf32, #tpu.memory_space<vmem>>, vector<16xf32>,
      %get3A_141 = vector.shape_cast %get3A_140 : vector<16xf32> to vector<16xf32>
      %add3A_142 = arith.addf %add3A_136, %get3A_141 : vector<16xf32>
      %add3A_143 = arith.constant 2560 : i32
      %add3A_144 = arith.addi %add3A_143, %multiple_of3A_112 : i32
      %get3A_145 = arith.index_cast %add3A_144 : i32 to index
      %get3A_146 = tpu.vector_load %arg8[%get3A_145] {strides = array<i32>} : memref<13312xf32, #tpu.memory_space<vmem>>, vector<16xf32>,
      %get3A_147 = vector.shape_cast %get3A_146 : vector<16xf32> to vector<16xf32>
      %add3A_148 = arith.addf %add3A_142, %get3A_147 : vector<16xf32>
      %add3A_149 = arith.constant 3072 : i32
      %add3A_150 = arith.addi %add3A_149, %multiple_of3A_112 : i32
      %get3A_151 = arith.index_cast %add3A_150 : i32 to index
      %get3A_152 = tpu.vector_load %arg8[%get3A_151] {strides = array<i32>} : memref<13312xf32, #tpu.memory_space<vmem>>, vector<16xf32>,
      %get3A_153 = vector.shape_cast %get3A_152 : vector<16xf32> to vector<16xf32>
      %add3A_154 = arith.addf %add3A_148, %get3A_153 : vector<16xf32>
      %add3A_155 = arith.constant 3584 : i32
      %add3A_156 = arith.addi %add3A_155, %multiple_of3A_112 : i32
      %get3A_157 = arith.index_cast %add3A_156 : i32 to index
      %get3A_158 = tpu.vector_load %arg8[%get3A_157] {strides = array<i32>} : memref<13312xf32, #tpu.memory_space<vmem>>, vector<16xf32>,
      %get3A_159 = vector.shape_cast %get3A_158 : vector<16xf32> to vector<16xf32>
      %add3A_160 = arith.addf %add3A_154, %get3A_159 : vector<16xf32>
      %add3A_161 = arith.constant 4096 : i32
      %add3A_162 = arith.addi %add3A_161, %multiple_of3A_112 : i32
      %get3A_163 = arith.index_cast %add3A_162 : i32 to index
      %get3A_164 = tpu.vector_load %arg8[%get3A_163] {strides = array<i32>} : memref<13312xf32, #tpu.memory_space<vmem>>, vector<16xf32>,
      %get3A_165 = vector.shape_cast %get3A_164 : vector<16xf32> to vector<16xf32>
      %add3A_166 = arith.addf %add3A_160, %get3A_165 : vector<16xf32>
      %add3A_167 = arith.constant 4608 : i32
      %add3A_168 = arith.addi %add3A_167, %multiple_of3A_112 : i32
      %get3A_169 = arith.index_cast %add3A_168 : i32 to index
      %get3A_170 = tpu.vector_load %arg8[%get3A_169] {strides = array<i32>} : memref<13312xf32, #tpu.memory_space<vmem>>, vector<16xf32>,
      %get3A_171 = vector.shape_cast %get3A_170 : vector<16xf32> to vector<16xf32>
      %add3A_172 = arith.addf %add3A_166, %get3A_171 : vector<16xf32>
      %add3A_173 = arith.constant 5120 : i32
      %add3A_174 = arith.addi %add3A_173, %multiple_of3A_112 : i32
      %get3A_175 = arith.index_cast %add3A_174 : i32 to index
      %get3A_176 = tpu.vector_load %arg8[%get3A_175] {strides = array<i32>} : memref<13312xf32, #tpu.memory_space<vmem>>, vector<16xf32>,
      %get3A_177 = vector.shape_cast %get3A_176 : vector<16xf32> to vector<16xf32>
      %add3A_178 = arith.addf %add3A_172, %get3A_177 : vector<16xf32>
      %add3A_179 = arith.constant 5632 : i32
      %add3A_180 = arith.addi %add3A_179, %multiple_of3A_112 : i32
      %get3A_181 = arith.index_cast %add3A_180 : i32 to index
      %get3A_182 = tpu.vector_load %arg8[%get3A_181] {strides = array<i32>} : memref<13312xf32, #tpu.memory_space<vmem>>, vector<16xf32>,
      %get3A_183 = vector.shape_cast %get3A_182 : vector<16xf32> to vector<16xf32>
      %add3A_184 = arith.addf %add3A_178, %get3A_183 : vector<16xf32>
      %add3A_185 = arith.constant 6144 : i32
      %add3A_186 = arith.addi %add3A_185, %multiple_of3A_112 : i32
      %get3A_187 = arith.index_cast %add3A_186 : i32 to index
      %get3A_188 = tpu.vector_load %arg8[%get3A_187] {strides = array<i32>} : memref<13312xf32, #tpu.memory_space<vmem>>, vector<16xf32>,
      %get3A_189 = vector.shape_cast %get3A_188 : vector<16xf32> to vector<16xf32>
      %add3A_190 = arith.addf %add3A_184, %get3A_189 : vector<16xf32>
      %add3A_191 = arith.constant 6656 : i32
      %add3A_192 = arith.addi %add3A_191, %multiple_of3A_112 : i32
      %get3A_193 = arith.index_cast %add3A_192 : i32 to index
      %get3A_194 = tpu.vector_load %arg8[%get3A_193] {strides = array<i32>} : memref<13312xf32, #tpu.memory_space<vmem>>, vector<16xf32>,
      %get3A_195 = vector.shape_cast %get3A_194 : vector<16xf32> to vector<16xf32>
      %add3A_196 = arith.addf %add3A_190, %get3A_195 : vector<16xf32>
      %add3A_197 = arith.constant 7168 : i32
      %add3A_198 = arith.addi %add3A_197, %multiple_of3A_112 : i32
      %get3A_199 = arith.index_cast %add3A_198 : i32 to index
      %get3A_200 = tpu.vector_load %arg8[%get3A_199] {strides = array<i32>} : memref<13312xf32, #tpu.memory_space<vmem>>, vector<16xf32>,
      %get3A_201 = vector.shape_cast %get3A_200 : vector<16xf32> to vector<16xf32>
      %add3A_202 = arith.addf %add3A_196, %get3A_201 : vector<16xf32>
      %add3A_203 = arith.constant 7680 : i32
      %add3A_204 = arith.addi %add3A_203, %multiple_of3A_112 : i32
      %get3A_205 = arith.index_cast %add3A_204 : i32 to index
      %get3A_206 = tpu.vector_load %arg8[%get3A_205] {strides = array<i32>} : memref<13312xf32, #tpu.memory_space<vmem>>, vector<16xf32>,
      %get3A_207 = vector.shape_cast %get3A_206 : vector<16xf32> to vector<16xf32>
      %add3A_208 = arith.addf %add3A_202, %get3A_207 : vector<16xf32>
      %add3A_209 = arith.constant 8192 : i32
      %add3A_210 = arith.addi %add3A_209, %multiple_of3A_112 : i32
      %get3A_211 = arith.index_cast %add3A_210 : i32 to index
      %get3A_212 = tpu.vector_load %arg8[%get3A_211] {strides = array<i32>} : memref<13312xf32, #tpu.memory_space<vmem>>, vector<16xf32>,
      %get3A_213 = vector.shape_cast %get3A_212 : vector<16xf32> to vector<16xf32>
      %add3A_214 = arith.addf %add3A_208, %get3A_213 : vector<16xf32>
      %add3A_215 = arith.constant 8704 : i32
      %add3A_216 = arith.addi %add3A_215, %multiple_of3A_112 : i32
      %get3A_217 = arith.index_cast %add3A_216 : i32 to index
      %get3A_218 = tpu.vector_load %arg8[%get3A_217] {strides = array<i32>} : memref<13312xf32, #tpu.memory_space<vmem>>, vector<16xf32>,
      %get3A_219 = vector.shape_cast %get3A_218 : vector<16xf32> to vector<16xf32>
      %add3A_220 = arith.addf %add3A_214, %get3A_219 : vector<16xf32>
      %add3A_221 = arith.constant 9216 : i32
      %add3A_222 = arith.addi %add3A_221, %multiple_of3A_112 : i32
      %get3A_223 = arith.index_cast %add3A_222 : i32 to index
      %get3A_224 = tpu.vector_load %arg8[%get3A_223] {strides = array<i32>} : memref<13312xf32, #tpu.memory_space<vmem>>, vector<16xf32>,
      %get3A_225 = vector.shape_cast %get3A_224 : vector<16xf32> to vector<16xf32>
      %add3A_226 = arith.addf %add3A_220, %get3A_225 : vector<16xf32>
      %add3A_227 = arith.constant 9728 : i32
      %add3A_228 = arith.addi %add3A_227, %multiple_of3A_112 : i32
      %get3A_229 = arith.index_cast %add3A_228 : i32 to index
      %get3A_230 = tpu.vector_load %arg8[%get3A_229] {strides = array<i32>} : memref<13312xf32, #tpu.memory_space<vmem>>, vector<16xf32>,
      %get3A_231 = vector.shape_cast %get3A_230 : vector<16xf32> to vector<16xf32>
      %add3A_232 = arith.addf %add3A_226, %get3A_231 : vector<16xf32>
      %add3A_233 = arith.constant 10240 : i32
      %add3A_234 = arith.addi %add3A_233, %multiple_of3A_112 : i32
      %get3A_235 = arith.index_cast %add3A_234 : i32 to index
      %get3A_236 = tpu.vector_load %arg8[%get3A_235] {strides = array<i32>} : memref<13312xf32, #tpu.memory_space<vmem>>, vector<16xf32>,
      %get3A_237 = vector.shape_cast %get3A_236 : vector<16xf32> to vector<16xf32>
      %add3A_238 = arith.addf %add3A_232, %get3A_237 : vector<16xf32>
      %add3A_239 = arith.constant 10752 : i32
      %add3A_240 = arith.addi %add3A_239, %multiple_of3A_112 : i32
      %get3A_241 = arith.index_cast %add3A_240 : i32 to index
      %get3A_242 = tpu.vector_load %arg8[%get3A_241] {strides = array<i32>} : memref<13312xf32, #tpu.memory_space<vmem>>, vector<16xf32>,
      %get3A_243 = vector.shape_cast %get3A_242 : vector<16xf32> to vector<16xf32>
      %add3A_244 = arith.addf %add3A_238, %get3A_243 : vector<16xf32>
      %add3A_245 = arith.constant 11264 : i32
      %add3A_246 = arith.addi %add3A_245, %multiple_of3A_112 : i32
      %get3A_247 = arith.index_cast %add3A_246 : i32 to index
      %get3A_248 = tpu.vector_load %arg8[%get3A_247] {strides = array<i32>} : memref<13312xf32, #tpu.memory_space<vmem>>, vector<16xf32>,
      %get3A_249 = vector.shape_cast %get3A_248 : vector<16xf32> to vector<16xf32>
      %add3A_250 = arith.addf %add3A_244, %get3A_249 : vector<16xf32>
      %add3A_251 = arith.constant 11776 : i32
      %add3A_252 = arith.addi %add3A_251, %multiple_of3A_112 : i32
      %get3A_253 = arith.index_cast %add3A_252 : i32 to index
      %get3A_254 = tpu.vector_load %arg8[%get3A_253] {strides = array<i32>} : memref<13312xf32, #tpu.memory_space<vmem>>, vector<16xf32>,
      %get3A_255 = vector.shape_cast %get3A_254 : vector<16xf32> to vector<16xf32>
      %add3A_256 = arith.addf %add3A_250, %get3A_255 : vector<16xf32>
      %add3A_257 = arith.constant 12288 : i32
      %add3A_258 = arith.addi %add3A_257, %multiple_of3A_112 : i32
      %get3A_259 = arith.index_cast %add3A_258 : i32 to index
      %get3A_260 = tpu.vector_load %arg8[%get3A_259] {strides = array<i32>} : memref<13312xf32, #tpu.memory_space<vmem>>, vector<16xf32>,
      %get3A_261 = vector.shape_cast %get3A_260 : vector<16xf32> to vector<16xf32>
      %add3A_262 = arith.addf %add3A_256, %get3A_261 : vector<16xf32>
      %add3A_263 = arith.constant 12800 : i32
      %add3A_264 = arith.addi %add3A_263, %multiple_of3A_112 : i32
      %get3A_265 = arith.index_cast %add3A_264 : i32 to index
      %get3A_266 = tpu.vector_load %arg8[%get3A_265] {strides = array<i32>} : memref<13312xf32, #tpu.memory_space<vmem>>, vector<16xf32>,
      %get3A_267 = vector.shape_cast %get3A_266 : vector<16xf32> to vector<16xf32>
      %add3A_268 = arith.addf %add3A_262, %get3A_267 : vector<16xf32>
      %neg3A = arith.constant 0.000000e+00 : f32
      %neg3A_269 = vector.broadcast %neg3A : f32 to vector<16xf32>
      %neg3A_270 = arith.subf %neg3A_269, %add3A_268 : vector<16xf32>
      %exp3A = math.exp %neg3A_270 : vector<16xf32>
      %add3A_271 = arith.constant 1.000000e+00 : f32
      %add3A_272 = vector.broadcast %add3A_271 : f32 to vector<16xf32>
      %add3A_273 = arith.addf %add3A_272, %exp3A : vector<16xf32>
      %div3A = arith.constant 1.000000e+00 : f32
      %div3A_274 = vector.broadcast %div3A : f32 to vector<16xf32>
      %div3A_275 = arith.divf %div3A_274, %add3A_273 : vector<16xf32>
      %swap3A = arith.index_cast %multiple_of3A_112 : i32 to index
      %swap3A_276 = tpu.vector_load %arg9[%swap3A] {strides = array<i32>} : memref<512xf32, #tpu.memory_space<vmem>>, vector<16xf32>,
      %swap3A_277 = vector.shape_cast %swap3A_276 : vector<16xf32> to vector<16xf32>
      %swap3A_278 = vector.shape_cast %div3A_275 : vector<16xf32> to vector<16xf32>
      tpu.vector_store %arg9[%swap3A], %swap3A_278 {strides = array<i32>} : memref<512xf32, #tpu.memory_space<vmem>>, vector<16xf32>,
    }
    %scan3A_106 = arith.constant 32 : i32
    %mul3A_107 = arith.constant 512 : i32
    %mul3A_108 = arith.muli %add3A, %mul3A_107 : i32
    %multiple_of3A = tpu.assume_multiple %mul3A_108, 512 : i32
    "tpu.region"() ({
      %run_scoped3A = tpu.sem_alloc : memref<!tpu.dma_semaphore, #tpu.memory_space<semaphore_mem>>
      %dma_start3A_109 = tpu.memref_slice %arg5[%multiple_of3A] : memref<16384xf32, #tpu.memory_space<hbm>> -> memref<512xf32, #tpu.memory_space<hbm>>
      %dma_start3A_110 = tpu.memref_slice %arg5[%multiple_of3A] : memref<16384xf32, #tpu.memory_space<hbm>> -> memref<512xf32, #tpu.memory_space<hbm>>
      tpu.enqueue_dma source(%arg9 : memref<512xf32, #tpu.memory_space<vmem>>) target(%dma_start3A_110 : memref<512xf32, #tpu.memory_space<hbm>>) target_semaphore(%run_scoped3A : memref<!tpu.dma_semaphore, #tpu.memory_space<semaphore_mem>>)
      %dma_wait3A_111 = tpu.memref_slice %arg5[%multiple_of3A] : memref<16384xf32, #tpu.memory_space<hbm>> -> memref<512xf32, #tpu.memory_space<hbm>>
      %dma_wait3A_112 = tpu.memref_slice %arg5[%multiple_of3A] : memref<16384xf32, #tpu.memory_space<hbm>> -> memref<512xf32, #tpu.memory_space<hbm>>
      tpu.wait_dma2 semaphore(%run_scoped3A : memref<!tpu.dma_semaphore, #tpu.memory_space<semaphore_mem>>) src(%arg9 : memref<512xf32, #tpu.memory_space<vmem>>) dst(%dma_wait3A_112 : memref<512xf32, #tpu.memory_space<hbm>>)
      tpu.yield
    }) : () -> ()
    return
  }
}

</mosaic_0001>

<sc_bundles>
// kernel: kernel.3.cloned.1.call-start
scs
__scs_entry_jumppad:
0x0: {  	(pc) =	sbr.rel $0x88, $3  }
0x1: {  	(tag) =	ssettag $0x0;
	lr =	simm.s32 $0x1  }
0x2: {  	[smem:$0x3F9E] =	sst lr;
	_ =	strace $0xD0000000  }
0x3: {  	_ = 	snop  }
0x4: {  	_ = 	snop  }
0x5: {  	_ = 	snop  }
0x6: {  	_ = 	snop  }
0x7: {  	_ = 	snop  }
__scs_overlays_trampoline_lowered:
0x8: {  	[smem:$0x3FAD] =	sst s0  }
0x9: {  	[smem:$0x3FAE] =	sst s1  }
0xa: {  	[smem:$0x3FAF] =	sst s2  }
0xb: {  	[smem:$0x3FB0] =	sst s3  }
0xc: {  	[smem:$0x3FB1] =	sst s4  }
0xd: {  	[smem:$0x3FB2] =	sst s5  }
0xe: {  	[smem:$0x3FB3] =	sst s6  }
0xf: {  	[smem:$0x3FB4] =	sst s7  }
0x10: {  	[smem:$0x3FB5] =	sst s8  }
0x11: {  	[smem:$0x3FB6] =	sst s9;
	s0 =	simm.s32 @!p0 $0x0  }
0x12: {  	s1 =	sld [smem:$0x3F9C];
	s0 =	simm.s32 @p0 $0x1  }
0x13: {  	[smem:$0x3FB7] =	sst s0;
	s0 =	simm.s32 @!p1 $0x0  }
0x14: {  	s2 =	sld [smem:$0x3F9B];
	s0 =	simm.s32 @p1 $0x1  }
0x15: {  	[smem:$0x3FB8] =	sst s0;
	s0 =	simm.s32 @!p2 $0x0  }
0x16: {  	s3 =	sld [smem:$0x3FDB];
	s0 =	simm.s32 @p2 $0x1  }
0x17: {  	s4 =	simm.s32 $0x1BF5;
	[smem:$0x3FBA] =	sst s0  }
0x18: {  	s0 =	sld [smem:$0x3F9D];
	_ =	swait.ge [sflag:s4], $0x0  }
0x19: {  	s7 =	sld [smem:$0x3F9E]  }
0x1a: {  	s8 =	sadd.s32 $0xFFFFE003, lr  }
0x1b: {  	s9 =	sadd.s32 $0xFFFFFEF7, lr;
	s5 =	simm.s32 $0xFFFFFFFF;
	p2 =	slt.u32 s8, $0xFFFFF086  }
0x1c: {  	p1 =	slt.u32 s9, $0xF7A;
	s5 =	simm.s32 @!p2 $0x0  }
0x1d: {  	s5 =	simm.s32 @p1 $0x1;
	p0 =	seq.s32 s7, s2  }
0x1e: {  	s7 =	smul.u32 @!p0 $0xF7A, s2;
	p2 =	seq.s32 @!p0 s5, $0x0  }
0x1f: {  	s9 =	smul.u32 $0xF7A, s1;
	s8 =	simm.s32 @!p0 $0x1BF5;
	p2 =	por !p2, p0  }
0x20: {  	[sflag:s8] =	ssyncset.s32 @!p0 $0xFFFFF086;
	s6 =	sadd.s32 @!p0 s3, s7;
	s7 =	simm.s32 @!p0 $0x108  }
0x21: {  	s3 =	sadd.s32 s3, s9;
	s6 =	sadd.s32 @!p0 $0x88, s6;
	s7 =	simm.s32 @p2 $0x1082  }
0x22: {  	[simem:s7], [sflag:s8] =	dma.local @!p0 [hbm:s6], $0xF7A  }
0x23: {  	s9 =	sor.u32 $0xD0000000, s2;
	s6 =	simm.s32 $0x108;
	_ =	swait.ge @!p0 [sflag:s8], $0x0  }
0x24: {  	s3 =	sadd.s32 $0x88, s3;
	s6 =	simm.s32 @!p1 $0x1082;
	[sflag:s4] =	ssyncset.s32 $0xFFFFF086  }
0x25: {  	[simem:s6], [sflag:s4] =	dma.local [hbm:s3], $0xF7A  }
0x26: {  	[smem:$0x3F9E] =	sst s1;
	(tag) =	ssettag s2;
	_ =	strace s9  }
0x27: {  	s1 =	sld [smem:$0x3FAE]  }
0x28: {  	s2 =	sld [smem:$0x3FAF]  }
0x29: {  	s4 =	sld [smem:$0x3FB1]  }
0x2a: {  	p0 =	seq.s32 s5, $0x0;
	s5 =	sld [smem:$0x3FB2]  }
0x2b: {  	s6 =	sld [smem:$0x3FB3]  }
0x2c: {  	s7 =	sld [smem:$0x3FB4]  }
0x2d: {  	s3 =	simm.s32 $0x108;
	s8 =	sld [smem:$0x3FB5]  }
0x2e: {  	s3 =	simm.s32 @!p0 $0x1082;
	s9 =	sld [smem:$0x3FB6]  }
0x2f: {  	lr =	sadd.s32 s0, s3;
	s0 =	sld [smem:$0x3FAD]  }
0x30: {  	s3 =	sld [smem:$0x3FB0]  }
0x31: {  	[smem:$0x3FB9] =	sst s10  }
0x32: {  	s10 =	sld [smem:$0x3FB7];
	_ =	sdelay $0x3  }
0x33: {  	p0 =	seq.s32 s10, $0x1;
	s10 =	sld [smem:$0x3FB9];
	_ =	sdelay $0x3  }
0x34: {  	[smem:$0x3FB9] =	sst s10  }
0x35: {  	s10 =	sld [smem:$0x3FB8];
	_ =	sdelay $0x3  }
0x36: {  	p1 =	seq.s32 s10, $0x1;
	s10 =	sld [smem:$0x3FB9];
	_ =	sdelay $0x3  }
0x37: {  	[smem:$0x3FB9] =	sst s10  }
0x38: {  	s10 =	sld [smem:$0x3FBA]  }
0x39: {  	_ = 	snop;
	(pc) =	sbr.ind lr, $3  }
0x3a: {  	_ = 	snop  }
0x3b: {  	_ = 	snop  }
0x3c: {  	p2 =	seq.s32 s10, $0x1;
	s10 =	sld [smem:$0x3FB9]  }
0x3d: {  	_ =	shalt  }
0x3e: {  	_ =	shalt  }
0x3f: {  	_ =	shalt  }
0x40: {  	_ =	shalt  }
0x41: {  	_ =	shalt  }
0x42: {  	_ =	shalt  }
0x43: {  	_ =	shalt  }
0x44: {  	_ =	shalt  }
0x45: {  	_ =	shalt  }
0x46: {  	_ =	shalt  }
0x47: {  	_ =	shalt  }
0x48: {  	_ =	shalt  }
0x49: {  	_ =	shalt  }
0x4a: {  	_ =	shalt  }
0x4b: {  	_ =	shalt  }
0x4c: {  	_ =	shalt  }
0x4d: {  	_ =	shalt  }
0x4e: {  	_ =	shalt  }
0x4f: {  	_ =	shalt  }
0x50: {  	_ =	shalt  }
0x51: {  	_ =	shalt  }
0x52: {  	_ =	shalt  }
0x53: {  	_ =	shalt  }
0x54: {  	_ =	shalt  }
0x55: {  	_ =	shalt  }
0x56: {  	_ =	shalt  }
0x57: {  	_ =	shalt  }
0x58: {  	_ =	shalt  }
0x59: {  	_ =	shalt  }
0x5a: {  	_ =	shalt  }
0x5b: {  	_ =	shalt  }
0x5c: {  	_ =	shalt  }
0x5d: {  	_ =	shalt  }
0x5e: {  	_ =	shalt  }
0x5f: {  	_ =	shalt  }
0x60: {  	_ =	shalt  }
0x61: {  	_ =	shalt  }
0x62: {  	_ =	shalt  }
0x63: {  	_ =	shalt  }
0x64: {  	_ =	shalt  }
0x65: {  	_ =	shalt  }
0x66: {  	_ =	shalt  }
0x67: {  	_ =	shalt  }
0x68: {  	_ =	shalt  }
0x69: {  	_ =	shalt  }
0x6a: {  	_ =	shalt  }
0x6b: {  	_ =	shalt  }
0x6c: {  	_ =	shalt  }
0x6d: {  	_ =	shalt  }
0x6e: {  	_ =	shalt  }
0x6f: {  	_ =	shalt  }
0x70: {  	_ =	shalt  }
0x71: {  	_ =	shalt  }
0x72: {  	_ =	shalt  }
0x73: {  	_ =	shalt  }
0x74: {  	_ =	shalt  }
0x75: {  	_ =	shalt  }
0x76: {  	_ =	shalt  }
0x77: {  	_ =	shalt  }
0x78: {  	_ =	shalt  }
0x79: {  	_ =	shalt  }
0x7a: {  	_ =	shalt  }
0x7b: {  	_ =	shalt  }
0x7c: {  	_ =	shalt  }
0x7d: {  	_ =	shalt  }
0x7e: {  	_ =	shalt  }
0x7f: {  	_ =	shalt  }
0x80: {  	_ =	shalt  }
0x81: {  	_ =	shalt  }
0x82: {  	_ =	shalt  }
0x83: {  	_ =	shalt  }
0x84: {  	_ =	shalt  }
0x85: {  	_ =	shalt  }
0x86: {  	_ =	shalt  }
0x87: {  	_ =	shalt  }
.Lfunc_end0:
.L_simem_size_0:
called_computation_lowered:
.L_overlay_start_0:
0x88: {  	s2 =	sld [smem:$0x3FD9]  }
0x89: {  	s3 =	sld [smem:$0x3FFE];
	_ =	sdelay $0x1  }
0x8a: {  	s1 =	srdreg.scid  }
0x8b: {  	s0 =	sand.u32 $0x1, s1  }
0x8c: {  	s17 =	sshll.u32 s0, $0xA;
	s2 =	sadd.s32 s3, s2  }
0x8d: {  	s2 =	sadd.s32 s2, s17  }
0x8e: {  	[smem:$0x3FC5] =	sst s2  }
0x8f: {  	_ = 	snop  }
0x90: {  	s2 =	sld [smem:$0x3FC8]  }
0x91: {  	s18 =	sld [smem:$0x3FD0];
	(tm) =	ssettm $0x1  }
0x92: {  	s4 =	sld [smem:$0x3FFB];
	_ =	sdelay $0x3  }
0x93: {  	_ =	strace s4  }
0x94: {  	s4 =	sld [smem:$0x3FFC];
	_ =	sdelay $0x3  }
0x95: {  	_ =	strace s4  }
0x96: {  	s4 =	sld [smem:$0x3FFD];
	_ =	sdelay $0x3  }
0x97: {  	_ =	strace s4  }
0x98: {  	_ =	strace $0x8FFFFFFF  }
0x99: {  	s19 =	sld [smem:$0x3FDB];
	_ =	sdelay $0x1  }
0x9a: {  	s5 =	simm.s32 $_scs_section_size  }
0x9b: {  	s6 =	simm.s32 $_size__tile_overlayer_lowered;
	s7 =	simm.s32 $_tile_overlayer_lowered  }
0x9c: {  	s22 =	simm.s32 $0x1BFF;
	s21 =	sshll.u32 s7, $0x1;
	s4 =	sadd.s32 s5, s19  }
0x9d: {  	s8 =	simm.s32 $0x0;
	s20 =	sshll.u32 s6, $0x1;
	s6 =	sadd.s32 s21, s4  }
0x9e: {  	[timem:s8], [sflag:s22] =	dma.local [hbm:s6], s20  }
0x9f: {  	_ =	swait.ge [sflag:s22], s20  }
0xa0: {  	s5 =	ssub.s32 $0x0, s20;
	[sflag:s22] =	ssyncset.done $0x0  }
0xa1: {  	[sflag:s22] =	ssyncadd.s32 s5;
	_ =	sdelay $0x1  }
0xa2: {  	s23 =	simm.s32 $0x1B8B  }
0xa3: {  	_ =	swait.ge [sflag:s23], $0x1  }
0xa4: {  	[sflag:s23] =	ssyncset.done $0x0  }
0xa5: {  	s25 =	simm.s32 $0x1B8E;
	s24 =	sld [smem:$0x3FFE];
	[sflag:s23] =	ssyncadd.s32 $0xFFFFFFFF  }
0xa6: {  	s26 =	simm.s32 $execute0_lowered;
	[smem:$0x3FD2] =	sst s25  }
0xa7: {  	s6 =	sshll.u32 s26, $0x1;
	_ =	strace $0x80000046;
	[dreg:$0x1] =	wrdreg $0xFFFFFFFF  }
0xa8: {  	s28 =	simm.s32 $_size_execute0_lowered;
	s4 =	sadd.s32 s4, s6;
	[dreg:$0x0] =	wrdreg $0x0  }
0xa9: {  	s6 =	sshll.u32 s28, $0x1;
	[dreg:$0x2] =	wrdreg s4  }
0xaa: {  	[dreg:$0x3] =	wrdreg s6  }
0xab: {  	[dreg:$0x4] =	wrdreg $0xC0  }
0xac: {  	_ =	task [dreg:s8], $0x5FFFF  }
0xad: {  	[dreg:$0x1] =	wrdreg $0xFFFFFFFF  }
0xae: {  	[dreg:$0x0] =	wrdreg $0x60  }
0xaf: {  	[dreg:$0x2] =	wrdreg s24  }
0xb0: {  	[dreg:$0x3] =	wrdreg s2  }
0xb1: {  	[dreg:$0x4] =	wrdreg s18  }
0xb2: {  	[dreg:$0x5] =	wrdreg $0x0  }
0xb3: {  	[dreg:$0x6] =	wrdreg $0x9  }
0xb4: {  	_ =	task.clear_ibuf [dreg:s8], $0x7FFFF;
	_ =	strace $0x90000046  }
0xb5: {  	s29 =	simm.s32 $0x9;
	_ =	strace $0x80000048  }
0xb6: {  	_ =	swait.ge [sflag:s29], $0x1  }
0xb7: {  	[sflag:s29] =	ssyncadd.s32 $0xFFFFFFFF  }
0xb8: {  	_ =	strace $0x90000048  }
0xb9: {  	_ =	sfence  }
0xba: {  	s30 =	sld [smem:$0x0];
	_ =	sdelay $0x2  }
0xbb: {  	s31 =	sshll.u32 s1, $0xD;
	s1 =	sshrl.u32 s1, $0x2  }
0xbc: {  	s3 =	sand.u32 $0x4000, s31;
	s1 =	sadd.s32 s1, s30  }
0xbd: {  	s0 =	sor.u32 s3, s0;
	s1 =	sshll.u32 s1, $0x11  }
0xbe: {  	s0 =	sor.u32 s1, s0  }
0xbf: {  	s0 =	sadd.s32 $0x8F2B, s0  }
0xc0: {  	[sflag:s0] =	ssyncadd.remote.s32 $0x1  }
0xc1: {  	_ =	sfence.sel $0xFFFF  }
0xc2: {  	[dreg:$0x0] =	wrdreg $0xFFFFFFFF;
	(pc) =	sbr.abs _section_cstart, $3  }
0xc3: {  	[dreg:$0x1] =	wrdreg $0xFFFFFFFF  }
0xc4: {  	_ =	task.clear_ibuf [dreg:s8], $0x2FFFF;
	_ =	strace $0x9FFFFFFF  }
0xc5: {  	(tm) =	ssettm $0x7FFFFFFF  }
tec
execute0_lowered:
.L_overlay_start_1:
0x0: {  	(tag) =	ssettag $0x1  }
0x1: {  	s23 =	stileid.u32  }
0x2: {  	s9 =	rddreg [dreg:$0x0];
	p0 =	sgt.s32 s23, $0x3  }
0x3: {  	s24 =	rddreg [dreg:$0x1];
	p2 =	sgt.s32 @p0 s23, $0x5  }
0x4: {  	s10 =	rddreg [dreg:$0x2];
	p1 =	por !p2, !p0  }
0x5: {  	s2 =	rddreg [dreg:$0x3];
	p3 =	seq.s32 @!p1 s23, $0x6  }
0x6: {  	s3 =	srdreg.scid;
	p5 =	sgt.s32 @!p0 s23, $0x1;
	p1 =	por @p0 !p3, !p2  }
0x7: {  	p4 =	por p2, !p0;
	p6 =	por !p5, p0;
	s0 =	simm.s32 @!p1 $0x0  }
0x8: {  	p4 =	seq.s32 @!p4 s23, $0x4;
	s0 =	simm.s32 @p1 $0x1;
	p1 =	por @p0 p3, !p2  }
0x9: {  	p6 =	seq.s32 @!p6 s23, $0x2;
	[smem:$0x7EB] =	sst s0;
	s0 =	simm.s32 @!p1 $0x0  }
0xa: {  	s0 =	simm.s32 @p1 $0x1;
	p1 =	por @p0 !p4, p2;
	s6 =	sld [smem:$0x7EB]  }
0xb: {  	p2 =	por @p0 p4, p2;
	[smem:$0x7EC] =	sst s0;
	s0 =	simm.s32 @!p1 $0x0  }
0xc: {  	p4 =	por @!p0 !p6, !p5;
	s0 =	simm.s32 @p1 $0x1;
	p1 =	por p5, p0  }
0xd: {  	p6 =	por @!p0 p6, !p5;
	s7 =	sld [smem:$0x7EC];
	p1 =	seq.s32 @!p1 s23, $0x0  }
0xe: {  	p3 =	por @!p0 !p1, p5;
	p1 =	por @!p0 p1, p5;
	p5 =	seq.s32 s6, $0x1  }
0xf: {  	s3 =	sand.u32 $0x1, s3;
	s4 =	sshll.u32 s23, $0x1;
	p5 =	por p5, !p0  }
0x10: {  	s15 =	sshrl.u32 s23, $0x2;
	[smem:$0x7ED] =	sst s0;
	s0 =	simm.s32 @!p5 $0x0  }
0x11: {  	s8 =	sld [smem:$0x7ED];
	s0 =	simm.s32 @p5 $0x1;
	p5 =	seq.s32 s7, $0x1  }
0x12: {  	s22 =	sadd.s32 $0x1CA70, s24;
	s11 =	sadd.s32 $0xC6A80, s2;
	p5 =	por p5, !p0  }
0x13: {  	s12 =	sadd.s32 $0xB7600, s2;
	[smem:$0x7F3] =	sst s0;
	s0 =	simm.s32 @!p5 $0x0  }
0x14: {  	s13 =	sadd.s32 $0xA8180, s2;
	s0 =	simm.s32 @p5 $0x1;
	p5 =	seq.s32 s8, $0x1  }
0x15: {  	s14 =	sadd.s32 $0x98D00, s2;
	s28 =	sadd.s32 $0x16EC0, s24;
	p5 =	por p5, !p0  }
0x16: {  	s29 =	sadd.s32 $0x15030, s24;
	[smem:$0x7F4] =	sst s0;
	s0 =	simm.s32 @!p5 $0x0  }
0x17: {  	s30 =	sadd.s32 $0x131A0, s24;
	p2 =	por p2, !p0;
	s0 =	simm.s32 @p5 $0x1  }
0x18: {  	s31 =	sadd.s32 $0x11310, s24;
	[smem:$0x7F5] =	sst s0;
	s0 =	simm.s32 @!p2 $0x0  }
0x19: {  	s7 =	sor.u32 s3, s4;
	s0 =	simm.s32 @p2 $0x1;
	p2 =	por p4, p0  }
0x1a: {  	s4 =	simm.s32 $0x0;
	[smem:$0x7F6] =	sst s0;
	s0 =	simm.s32 @!p2 $0x0  }
0x1b: {  	s3 =	ssub.s32 $0x2, s3;
	p4 =	por p6, p0;
	s0 =	simm.s32 @p2 $0x1  }
0x1c: {  	p6 =	por p3, p0;
	[smem:$0x7F7] =	sst s0;
	s0 =	simm.s32 @!p4 $0x0  }
0x1d: {  	p0 =	por p1, p0;
	p2 =	sgt.s32 s23, $0xB;
	s0 =	simm.s32 @p4 $0x1  }
0x1e: {  	p3 =	sgt.s32 @p2 s23, $0xD;
	[smem:$0x7F8] =	sst s0;
	s0 =	simm.s32 @!p0 $0x0  }
0x1f: {  	s6 =	sshll.u32 s7, $0x7;
	s0 =	simm.s32 @p0 $0x1;
	p0 =	por !p3, !p2  }
0x20: {  	[smem:$0x7FF] =	sst s4;
	s21 =	sshrl.u32 s3, $0x1;
	p0 =	seq.s32 @!p0 s23, $0xE  }
0x21: {  	s7 =	sshll.u32 s7, $0x6;
	s6 =	sand.u32 $0x380, s6;
	p4 =	por @p2 !p0, !p3  }
0x22: {  	p1 =	por p3, !p2;
	[smem:$0x7F9] =	sst s0;
	s1 =	simm.s32 @!p4 $0x0  }
0x23: {  	s0 =	ssub.s32 s3, s21;
	p0 =	por @p2 p0, !p3;
	s1 =	simm.s32 @p4 $0x1  }
0x24: {  	s3 =	sadd.s32 $0xE5380, s2;
	[smem:$0x7EE] =	sst s1;
	s1 =	simm.s32 @!p0 $0x0  }
0x25: {  	s1 =	simm.s32 @p0 $0x1;
	p0 =	seq.s32 @!p1 s23, $0xC;
	s8 =	sld [smem:$0x7EE]  }
0x26: {  	s21 =	sadd.s32 $0x2DD80, s2;
	[smem:$0x7EF] =	sst s1;
	p1 =	por @p2 !p0, p3  }
0x27: {  	p0 =	por @p2 p0, p3;
	p3 =	sgt.s32 @!p2 s23, $0x9;
	s1 =	simm.s32 @!p1 $0x0  }
0x28: {  	s16 =	sld [smem:$0x7EF];
	s1 =	simm.s32 @p1 $0x1;
	p1 =	por p3, p2  }
0x29: {  	[smem:$0x7F0] =	sst s1;
	s1 =	simm.s32 @!p0 $0x0;
	p1 =	seq.s32 @!p1 s23, $0x8  }
0x2a: {  	s1 =	simm.s32 @p0 $0x1;
	p0 =	por !p3, p2;
	s17 =	sld [smem:$0x7F0]  }
0x2b: {  	p4 =	por @!p2 !p1, p3;
	[smem:$0x7F1] =	sst s1;
	p0 =	seq.s32 @!p0 s23, $0xA  }
0x2c: {  	s5 =	simm.s32 @!p4 $0x0;
	s1 =	sadd.s32 $0xF480, s2;
	p5 =	por @!p2 !p0, !p3  }
0x2d: {  	p0 =	por @!p2 p0, !p3;
	s5 =	simm.s32 @p4 $0x1;
	p4 =	seq.s32 s8, $0x1  }
0x2e: {  	p3 =	por @!p2 p1, p3;
	s18 =	sld [smem:$0x7F1];
	p1 =	por p4, !p2  }
0x2f: {  	[smem:$0x7F2] =	sst s5;
	p4 =	seq.s32 s16, $0x1;
	s8 =	simm.s32 @!p1 $0x0  }
0x30: {  	s5 =	smul.u32 $0x1A000, s15;
	s8 =	simm.s32 @p1 $0x1;
	p1 =	por p4, !p2  }
0x31: {  	p4 =	seq.s32 s17, $0x1;
	[smem:$0x7FA] =	sst s8;
	s8 =	simm.s32 @!p1 $0x0  }
0x32: {  	p5 =	por p5, p2;
	s8 =	simm.s32 @p1 $0x1;
	p1 =	por p4, !p2  }
0x33: {  	s5 =	sor.u32 s5, s6;
	[smem:$0x7FB] =	sst s8;
	s8 =	simm.s32 @!p1 $0x0  }
0x34: {  	s19 =	sld [smem:$0x7F2];
	s5 =	sshrl.u32 s5, $0x3;
	s8 =	simm.s32 @p1 $0x1  }
0x35: {  	s20 =	sadd.s32 s5, s9;
	s5 =	sadd.s32 $0xD400, s9;
	[smem:$0x7FC] =	sst s8  }
0x36: {  	s9 =	sadd.s32 $0x1ABE0, s24;
	_ =	strace $0x80000047;
	[dreg:$0x5] =	wrdreg s22  }
0x37: {  	p0 =	por p0, p2;
	s17 =	sadd.s32 $0x6AF80, s2;
	[dreg:$0x6] =	wrdreg s9  }
0x38: {  	p4 =	seq.s32 s18, $0x1;
	s18 =	sadd.s32 $0x5BB00, s2;
	s25 =	sld [smem:$0x7F3]  }
0x39: {  	p4 =	por p4, !p2;
	p1 =	seq.s32 s19, $0x1;
	s26 =	sld [smem:$0x7F4]  }
0x3a: {  	p1 =	por p1, p2;
	s9 =	sadd.s32 s10, s7;
	s7 =	sld [smem:$0x7F5]  }
0x3b: {  	p2 =	por p3, p2;
	p3 =	seq.s32 s25, $0x1;
	s25 =	sld [smem:$0x7FC]  }
0x3c: {  	s10 =	smax.u32 s0, $0x1;
	s0 =	sshrl.u32 @!p3 s18, $0x3;
	s18 =	sld [smem:$0x7F7]  }
0x3d: {  	s6 =	sadd.s32 $0x400, s20;
	p3 =	seq.s32 s26, $0x1;
	[dreg:$0x7] =	wrdreg s0  }
0x3e: {  	s26 =	sadd.s32 $0x18D50, s24;
	s0 =	sshrl.u32 @!p3 s17, $0x3;
	s17 =	sld [smem:$0x7F6]  }
0x3f: {  	s20 =	sadd.s32 $0x3D200, s2;
	p3 =	seq.s32 s7, $0x1;
	[dreg:$0x16] =	wrdreg s26  }
0x40: {  	s15 =	sadd.s32 $0x89880, s2;
	[dreg:$0x8] =	wrdreg s0;
	s0 =	sshrl.u32 @!p3 s20, $0x3  }
0x41: {  	s19 =	sadd.s32 $0x4C680, s2;
	[dreg:$0x9] =	wrdreg s0;
	p3 =	seq.s32 s17, $0x1  }
0x42: {  	s16 =	sadd.s32 $0x7A400, s2;
	s0 =	sshrl.u32 @!p3 s19, $0x3;
	s19 =	sld [smem:$0x7F8]  }
0x43: {  	s22 =	sadd.s32 $0x1E900, s2;
	s20 =	sld [smem:$0x7F9];
	p3 =	seq.s32 s18, $0x1  }
0x44: {  	s8 =	sadd.s32 $0xD5F00, s2;
	[dreg:$0xa] =	wrdreg s0;
	s0 =	sshrl.u32 @!p3 s22, $0x3  }
0x45: {  	s7 =	sadd.s32 $0x98D0, s24;
	[dreg:$0xb] =	wrdreg s0;
	p3 =	seq.s32 s19, $0x1  }
0x46: {  	s17 =	simm.s32 $0x15E28;
	s0 =	sshrl.u32 @!p3 s21, $0x3;
	s21 =	sld [smem:$0x7FA]  }
0x47: {  	s18 =	simm.s32 $0x2;
	s22 =	sld [smem:$0x7FB];
	s19 =	simm.s32 $0x1  }
0x48: {  	p3 =	seq.s32 s20, $0x1;
	s20 =	simm.s32 $0x3400;
	[dreg:$0xc] =	wrdreg s0  }
0x49: {  	s0 =	sshrl.u32 @!p3 s1, $0x3;
	s1 =	sadd.s32 $0xB760, s24;
	p3 =	seq.s32 s21, $0x1  }
0x4a: {  	[dreg:$0xd] =	wrdreg s0;
	s0 =	sshrl.u32 @!p3 s8, $0x3;
	p3 =	seq.s32 s22, $0x1  }
0x4b: {  	[dreg:$0xe] =	wrdreg s0;
	s0 =	sshrl.u32 @!p3 s3, $0x3;
	p3 =	seq.s32 s25, $0x1  }
0x4c: {  	s21 =	simm.s32 $0x15C28;
	[dreg:$0xf] =	wrdreg s0;
	s0 =	sshrl.u32 @!p3 s12, $0x3  }
0x4d: {  	s8 =	sadd.s32 $0x7A40, s24;
	[dreg:$0x10] =	wrdreg s0;
	s0 =	sshrl.u32 @!p4 s11, $0x3  }
0x4e: {  	s22 =	simm.s32 $0x0;
	[dreg:$0x11] =	wrdreg s0;
	s0 =	sshrl.u32 @!p5 s14, $0x3  }
0x4f: {  	s3 =	sadd.s32 $0xF480, s24;
	[dreg:$0x12] =	wrdreg s0;
	s0 =	sshrl.u32 @!p0 s13, $0x3  }
0x50: {  	p3 =	sgt.s32 s23, $0x7;
	[dreg:$0x13] =	wrdreg s0;
	s0 =	sshrl.u32 @!p1 s16, $0x3  }
0x51: {  	s12 =	sadd.s32 $0x3D20, s24;
	[dreg:$0x14] =	wrdreg s0;
	s0 =	sshrl.u32 @!p2 s15, $0x3  }
0x52: {  	s11 =	sadd.s32 $0x5BB0, s24;
	[dreg:$0x15] =	wrdreg s0;
	s0 =	simm.s32 @!p3 $0x0  }
0x53: {  	s13 =	sadd.s32 $0x1E90, s24;
	s16 =	simm.s32 $0xF428;
	s0 =	simm.s32 @p3 $0x1  }
0x54: {  	s15 =	simm.s32 $0x400;
	[smem:$0x7FD] =	sst s0;
	s0 =	sadd.s32 $0xD5F0, s24  }
.LBB2_1:
0x55: {  	s14 =	simm.s32 $0x80  }
0x56: {  	[tilespmem:s16], [sflag:$0x1] =	stream.strided.gather [hbm4b:s6+s14], $0x3400, s15, s14, $0x38;
	[tilespmem:$0x15EA8] =	vst v63  }
0x57: {  	_ = 	snop  }
0x58: {  	[tilespmem:s17], [sflag:$0x2] =	stream.linear.gather [hbm4b:s5+s4], $0x80, $0x38;
	[tilespmem:$0x15EA8] =	vst v63  }
0x59: {  	_ =	swait.ge [sflag:s18], $0x80  }
0x5a: {  	s26 =	sld [smem:$0x7FD];
	_ =	sdelay $0x2  }
0x5b: {  	p3 =	seq.s32 s26, $0x1  }
.Ltmp0:
0x5c: {  	_ = 	snop;
	(pc) =	sbr.rel @p3 .LBB2_3-.Ltmp0, $3  }
0x5d: {  	_ =	sdelay $0x1  }
0x5e: {  	[sflag:s18] =	ssyncset.done $0x0  }
0x5f: {  	[sflag:s18] =	ssyncadd.s32 $0xFFFFFF80  }
0x60: {  	s14 =	sld [smem:$0x7F3];
	_ =	sdelay $0x2  }
0x61: {  	p3 =	seq.s32 s14, $0x1  }
0x62: {  	s23 =	rddreg [dreg:$0x7];
	s14 =	simm.s32 @!p3 $0x1D82  }
0x63: {  	[spmem:s23], [sflag:s14] =	dma.local @!p3 [hbm:s1], $0x1E90  }
0x64: {  	s14 =	simm.s32 @!p3 $0x2  }
0x65: {  	_ =	swait.ge @!p3 [sflag:s14], $0x1E90  }
0x66: {  	s25 =	sld [smem:$0x7F4];
	_ =	sdelay $0x1  }
0x67: {  	[sflag:s14] =	ssyncset.done @!p3 $0x0  }
0x68: {  	[sflag:s14] =	ssyncadd.s32 @!p3 $0xFFFFE170;
	p3 =	seq.s32 s25, $0x1  }
0x69: {  	s23 =	rddreg [dreg:$0x8];
	s14 =	simm.s32 @!p3 $0x1DC2  }
0x6a: {  	[spmem:s23], [sflag:s14] =	dma.local @!p3 [hbm:s0], $0x1E90  }
0x6b: {  	s14 =	simm.s32 @!p3 $0x2  }
0x6c: {  	_ =	swait.ge @!p3 [sflag:s14], $0x1E90  }
0x6d: {  	s26 =	sld [smem:$0x7F5];
	_ =	sdelay $0x1  }
0x6e: {  	[sflag:s14] =	ssyncset.done @!p3 $0x0  }
0x6f: {  	[sflag:s14] =	ssyncadd.s32 @!p3 $0xFFFFE170;
	p3 =	seq.s32 s26, $0x1  }
0x70: {  	s23 =	rddreg [dreg:$0x9];
	s14 =	simm.s32 @!p3 $0x1D02  }
0x71: {  	[spmem:s23], [sflag:s14] =	dma.local @!p3 [hbm:s8], $0x1E90  }
0x72: {  	s14 =	simm.s32 @!p3 $0x2  }
0x73: {  	_ =	swait.ge @!p3 [sflag:s14], $0x1E90  }
0x74: {  	s23 =	sld [smem:$0x7F6];
	_ =	sdelay $0x1  }
0x75: {  	[sflag:s14] =	ssyncset.done @!p3 $0x0  }
0x76: {  	[sflag:s14] =	ssyncadd.s32 @!p3 $0xFFFFE170;
	p3 =	seq.s32 s23, $0x1  }
0x77: {  	s23 =	rddreg [dreg:$0xa];
	s14 =	simm.s32 @!p3 $0x1D42  }
0x78: {  	[spmem:s23], [sflag:s14] =	dma.local @!p3 [hbm:s7], $0x1E90  }
0x79: {  	s14 =	simm.s32 @!p3 $0x2  }
0x7a: {  	_ =	swait.ge @!p3 [sflag:s14], $0x1E90  }
0x7b: {  	s24 =	sld [smem:$0x7F7];
	_ =	sdelay $0x1  }
0x7c: {  	[sflag:s14] =	ssyncset.done @!p3 $0x0  }
0x7d: {  	[sflag:s14] =	ssyncadd.s32 @!p3 $0xFFFFE170;
	p3 =	seq.s32 s24, $0x1  }
0x7e: {  	s23 =	rddreg [dreg:$0xb];
	s14 =	simm.s32 @!p3 $0x1C82  }
0x7f: {  	[spmem:s23], [sflag:s14] =	dma.local @!p3 [hbm:s12], $0x1E90  }
0x80: {  	s14 =	simm.s32 @!p3 $0x2  }
0x81: {  	_ =	swait.ge @!p3 [sflag:s14], $0x1E90  }
0x82: {  	s25 =	sld [smem:$0x7F8];
	_ =	sdelay $0x1  }
0x83: {  	[sflag:s14] =	ssyncset.done @!p3 $0x0  }
0x84: {  	[sflag:s14] =	ssyncadd.s32 @!p3 $0xFFFFE170;
	p3 =	seq.s32 s25, $0x1  }
0x85: {  	s23 =	rddreg [dreg:$0xc];
	s14 =	simm.s32 @!p3 $0x1CC2  }
0x86: {  	[spmem:s23], [sflag:s14] =	dma.local @!p3 [hbm:s11], $0x1E90  }
0x87: {  	s14 =	simm.s32 @!p3 $0x2  }
0x88: {  	_ =	swait.ge @!p3 [sflag:s14], $0x1E90  }
0x89: {  	[sflag:s14] =	ssyncset.done @!p3 $0x0  }
0x8a: {  	[sflag:s14] =	ssyncadd.s32 @!p3 $0xFFFFE170  }
0x8b: {  	s23 =	simm.s32 @!p6 $0x1C02;
	s14 =	sshrl.u32 @!p6 s2, $0x3;
	s24 =	rddreg [dreg:$0x1]  }
0x8c: {  	[spmem:s14], [sflag:s23] =	dma.local @!p6 [hbm:s24], $0x1E90  }
0x8d: {  	s14 =	simm.s32 @!p6 $0x2  }
0x8e: {  	_ =	swait.ge @!p6 [sflag:s14], $0x1E90  }
0x8f: {  	s26 =	sld [smem:$0x7F9];
	_ =	sdelay $0x2  }
0x90: {  	[sflag:s14] =	ssyncset.done @!p6 $0x0;
	p3 =	seq.s32 s26, $0x1  }
0x91: {  	s23 =	rddreg [dreg:$0xd];
	[sflag:s14] =	ssyncadd.s32 @!p6 $0xFFFFE170;
	s14 =	simm.s32 @!p3 $0x1C42  }
0x92: {  	[spmem:s23], [sflag:s14] =	dma.local @!p3 [hbm:s13], $0x1E90  }
.Ltmp1:
0x93: {  	_ = 	snop;
	(pc) =	sbr.rel .LBB2_4-.Ltmp1, $4  }
0x94: {  	s14 =	simm.s32 @!p3 $0x2  }
0x95: {  	_ =	swait.ge @!p3 [sflag:s14], $0x1E90  }
0x96: {  	[sflag:s14] =	ssyncset.done @!p3 $0x0  }
0x97: {  	[sflag:s14] =	ssyncadd.s32 @!p3 $0xFFFFE170  }
.LBB2_3:
0x98: {  	s14 =	sld [smem:$0x7FA];
	_ =	sdelay $0x2  }
0x99: {  	s23 =	rddreg [dreg:$0x6];
	p3 =	seq.s32 s14, $0x1  }
0x9a: {  	s24 =	rddreg [dreg:$0xe];
	s14 =	simm.s32 @!p3 $0x1F82  }
0x9b: {  	[spmem:s24], [sflag:s14] =	dma.local @!p3 [hbm:s23], $0x1E90  }
0x9c: {  	s14 =	simm.s32 @!p3 $0x2  }
0x9d: {  	_ =	swait.ge @!p3 [sflag:s14], $0x1E90  }
0x9e: {  	s25 =	sld [smem:$0x7FB];
	_ =	sdelay $0x1  }
0x9f: {  	[sflag:s14] =	ssyncset.done @!p3 $0x0  }
0xa0: {  	s23 =	rddreg [dreg:$0x5];
	[sflag:s14] =	ssyncadd.s32 @!p3 $0xFFFFE170;
	p3 =	seq.s32 s25, $0x1  }
0xa1: {  	s24 =	rddreg [dreg:$0xf];
	s14 =	simm.s32 @!p3 $0x1FC2  }
0xa2: {  	[spmem:s24], [sflag:s14] =	dma.local @!p3 [hbm:s23], $0x1DE0  }
0xa3: {  	s14 =	simm.s32 @!p3 $0x2  }
0xa4: {  	_ =	swait.ge @!p3 [sflag:s14], $0x1DE0  }
0xa5: {  	s26 =	sld [smem:$0x7FC];
	_ =	sdelay $0x1  }
0xa6: {  	[sflag:s14] =	ssyncset.done @!p3 $0x0  }
0xa7: {  	[sflag:s14] =	ssyncadd.s32 @!p3 $0xFFFFE220;
	p3 =	seq.s32 s26, $0x1  }
0xa8: {  	s23 =	rddreg [dreg:$0x10];
	s14 =	simm.s32 @!p3 $0x1F02  }
0xa9: {  	[spmem:s23], [sflag:s14] =	dma.local @!p3 [hbm:s28], $0x1E90  }
0xaa: {  	s14 =	simm.s32 @!p3 $0x2  }
0xab: {  	_ =	swait.ge @!p3 [sflag:s14], $0x1E90  }
0xac: {  	[sflag:s14] =	ssyncset.done @!p3 $0x0;
	s23 =	rddreg [dreg:$0x11]  }
0xad: {  	s24 =	rddreg [dreg:$0x16];
	[sflag:s14] =	ssyncadd.s32 @!p3 $0xFFFFE170;
	s14 =	simm.s32 @!p4 $0x1F42  }
0xae: {  	[spmem:s23], [sflag:s14] =	dma.local @!p4 [hbm:s24], $0x1E90  }
0xaf: {  	s14 =	simm.s32 @!p4 $0x2  }
0xb0: {  	_ =	swait.ge @!p4 [sflag:s14], $0x1E90  }
0xb1: {  	[sflag:s14] =	ssyncset.done @!p4 $0x0  }
0xb2: {  	s23 =	rddreg [dreg:$0x12];
	[sflag:s14] =	ssyncadd.s32 @!p4 $0xFFFFE170;
	s14 =	simm.s32 @!p5 $0x1E82  }
0xb3: {  	[spmem:s23], [sflag:s14] =	dma.local @!p5 [hbm:s30], $0x1E90  }
0xb4: {  	s14 =	simm.s32 @!p5 $0x2  }
0xb5: {  	_ =	swait.ge @!p5 [sflag:s14], $0x1E90  }
0xb6: {  	[sflag:s14] =	ssyncset.done @!p5 $0x0  }
0xb7: {  	s23 =	rddreg [dreg:$0x13];
	[sflag:s14] =	ssyncadd.s32 @!p5 $0xFFFFE170;
	s14 =	simm.s32 @!p0 $0x1EC2  }
0xb8: {  	[spmem:s23], [sflag:s14] =	dma.local @!p0 [hbm:s29], $0x1E90  }
0xb9: {  	s14 =	simm.s32 @!p0 $0x2  }
0xba: {  	_ =	swait.ge @!p0 [sflag:s14], $0x1E90  }
0xbb: {  	[sflag:s14] =	ssyncset.done @!p0 $0x0  }
0xbc: {  	s23 =	rddreg [dreg:$0x14];
	[sflag:s14] =	ssyncadd.s32 @!p0 $0xFFFFE170;
	s14 =	simm.s32 @!p1 $0x1E02  }
0xbd: {  	[spmem:s23], [sflag:s14] =	dma.local @!p1 [hbm:s3], $0x1E90  }
0xbe: {  	s14 =	simm.s32 @!p1 $0x2  }
0xbf: {  	_ =	swait.ge @!p1 [sflag:s14], $0x1E90  }
0xc0: {  	[sflag:s14] =	ssyncset.done @!p1 $0x0  }
0xc1: {  	s23 =	rddreg [dreg:$0x15];
	[sflag:s14] =	ssyncadd.s32 @!p1 $0xFFFFE170;
	s14 =	simm.s32 @!p2 $0x1E42  }
0xc2: {  	[spmem:s23], [sflag:s14] =	dma.local @!p2 [hbm:s31], $0x1E90  }
0xc3: {  	s14 =	simm.s32 @!p2 $0x2  }
0xc4: {  	_ =	swait.ge @!p2 [sflag:s14], $0x1E90  }
0xc5: {  	[sflag:s14] =	ssyncset.done @!p2 $0x0  }
0xc6: {  	[sflag:s14] =	ssyncadd.s32 @!p2 $0xFFFFE170  }
.LBB2_4:
0xc7: {  	[bflag:$0x0] =	sbarrier.arrive $0xFFFF  }
0xc8: {  	_ =	swait.ge [sflag:s19], $0x3400  }
0xc9: {  	[sflag:s19] =	ssyncset.done $0x0  }
0xca: {  	s14 =	simm.s32 $0x12828;
	[sflag:s19] =	ssyncadd.s32 $0xFFFFCC00  }
0xcb: {  	[tilespmem:s14], [sflag:$0x1] =	stream.indirect.gather [spmem:s2], $0x1, s16, s20, $0xb8;
	[tilespmem:$0x15EA8] =	vst v63  }
0xcc: {  	_ =	swait.ge [sflag:s19], $0x3400  }
0xcd: {  	[sflag:s19] =	ssyncset.done $0x0  }
0xce: {  	[sflag:s19] =	ssyncadd.s32 $0xFFFFCC00  }
0xcf: {  	v0 =	vld [tilespmem:$0x15E28]  }
0xd0: {  	s23 =	simm.s32 $0x0;
	v1 =	vld [tilespmem:s14+$0x0]  }
0xd1: {  	s26 =	sand.u32 $0x1F0, s23  }
0xd2: {  	v2 =	vld [tilespmem:s26+$0x12A28];
	_ =	sdelay $0x1  }
0xd3: {  	v3 =	vld [tilespmem:s26+$0x12C28]  }
0xd4: {  	v1 =	vadd.f32 v1, v0  }
0xd5: {  	v4 =	vld [tilespmem:s26+$0x12E28]  }
0xd6: {  	v1 =	vadd.f32 v2, v1  }
0xd7: {  	v2 =	vld [tilespmem:s26+$0x13028]  }
0xd8: {  	v1 =	vadd.f32 v3, v1  }
0xd9: {  	v3 =	vld [tilespmem:s26+$0x13228]  }
0xda: {  	v1 =	vadd.f32 v4, v1  }
0xdb: {  	v57 =	vld [tilespmem:s26+$0x13428]  }
0xdc: {  	v1 =	vadd.f32 v2, v1  }
0xdd: {  	v2 =	vld [tilespmem:s26+$0x13628]  }
0xde: {  	v1 =	vadd.f32 v3, v1  }
0xdf: {  	v3 =	vld [tilespmem:s26+$0x13828]  }
0xe0: {  	v1 =	vadd.f32 v57, v1  }
0xe1: {  	v58 =	vld [tilespmem:s26+$0x13A28]  }
0xe2: {  	v1 =	vadd.f32 v2, v1  }
0xe3: {  	v2 =	vld [tilespmem:s26+$0x13C28]  }
0xe4: {  	v1 =	vadd.f32 v3, v1  }
0xe5: {  	v3 =	vld [tilespmem:s26+$0x13E28]  }
0xe6: {  	v1 =	vadd.f32 v58, v1  }
0xe7: {  	v59 =	vld [tilespmem:s26+$0x14028]  }
0xe8: {  	v1 =	vadd.f32 v2, v1  }
0xe9: {  	v2 =	vld [tilespmem:s26+$0x14228]  }
0xea: {  	v1 =	vadd.f32 v3, v1  }
0xeb: {  	v3 =	vld [tilespmem:s26+$0x14428]  }
0xec: {  	v1 =	vadd.f32 v59, v1  }
0xed: {  	v60 =	vld [tilespmem:s26+$0x14628]  }
0xee: {  	v1 =	vadd.f32 v2, v1  }
0xef: {  	v2 =	vld [tilespmem:s26+$0x14828]  }
0xf0: {  	v1 =	vadd.f32 v3, v1  }
0xf1: {  	v3 =	vld [tilespmem:s26+$0x14A28]  }
0xf2: {  	v1 =	vadd.f32 v60, v1  }
0xf3: {  	v61 =	vld [tilespmem:s26+$0x14C28]  }
0xf4: {  	v1 =	vadd.f32 v2, v1  }
0xf5: {  	v2 =	vld [tilespmem:s26+$0x14E28]  }
0xf6: {  	v1 =	vadd.f32 v3, v1  }
0xf7: {  	v3 =	vld [tilespmem:s26+$0x15028]  }
0xf8: {  	v1 =	vadd.f32 v61, v1  }
0xf9: {  	v62 =	vld [tilespmem:s26+$0x15228]  }
0xfa: {  	v1 =	vadd.f32 v2, v1  }
0xfb: {  	v2 =	vld [tilespmem:s26+$0x15428]  }
0xfc: {  	v1 =	vadd.f32 v3, v1  }
0xfd: {  	v3 =	vld [tilespmem:s26+$0x15628]  }
0xfe: {  	v1 =	vadd.f32 v62, v1  }
0xff: {  	v63 =	vld [tilespmem:s26+$0x15828]  }
0x100: {  	v1 =	vadd.f32 v2, v1  }
0x101: {  	v2 =	vld [tilespmem:s26+$0x15A28]  }
0x102: {  	v1 =	vadd.f32 v3, v1;
	_ =	sdelay $0x1  }
0x103: {  	v1 =	vadd.f32 v63, v1;
	_ =	sdelay $0x1  }
0x104: {  	v1 =	vadd.f32 v2, v1;
	_ =	sdelay $0x1  }
0x105: {  	v1 =	vsub.f32 $0.0e+00, v1;
	_ =	sdelay $0x1  }
0x106: {  	v1 =	vmul.f32 $1.442695020e+00, v1;
	_ =	sdelay $0x1  }
0x107: {  	(erf) = vpow2.f32 v1;
	_ =	sdelay $0x8  }
0x108: {  	v1 =	vpop (erf)  }
0x109: {  	v1 =	vadd.f32 $1.000000000e+00, v1;
	_ =	sdelay $0x1  }
0x10a: {  	(erf) = vrcp.f32 v1;
	_ =	sdelay $0x8  }
0x10b: {  	s23 =	simm.s32 $0x15C28;
	v1 =	vpop (erf)  }
0x10c: {  	s24 =	simm.s32 $0x12838;
	[tilespmem:s23+$0x0] =	vst v1  }
0x10d: {  	s25 =	simm.s32 $0x10;
	s14 =	simm.s32 $0x20;
	v1 =	vld [tilespmem:s24+$0x0]  }
.LBB2_5:
0x10e: {  	p3 =	sne.s32 s14, $0x1F0;
	s26 =	sand.u32 $0x1F0, s25;
	s25 =	smov.u32 s14  }
0x10f: {  	v2 =	vld [tilespmem:s26+$0x12A28];
	_ =	sdelay $0x1  }
0x110: {  	v3 =	vld [tilespmem:s26+$0x12C28]  }
0x111: {  	v1 =	vadd.f32 v1, v0  }
0x112: {  	v4 =	vld [tilespmem:s26+$0x12E28]  }
0x113: {  	v1 =	vadd.f32 v2, v1  }
0x114: {  	v2 =	vld [tilespmem:s26+$0x13028]  }
0x115: {  	v1 =	vadd.f32 v3, v1  }
0x116: {  	v3 =	vld [tilespmem:s26+$0x13228]  }
0x117: {  	v1 =	vadd.f32 v4, v1  }
0x118: {  	v4 =	vld [tilespmem:s26+$0x13428]  }
0x119: {  	v1 =	vadd.f32 v2, v1  }
0x11a: {  	v2 =	vld [tilespmem:s26+$0x13628]  }
0x11b: {  	v1 =	vadd.f32 v3, v1  }
0x11c: {  	v3 =	vld [tilespmem:s26+$0x13828]  }
0x11d: {  	v1 =	vadd.f32 v4, v1  }
0x11e: {  	v4 =	vld [tilespmem:s26+$0x13A28]  }
0x11f: {  	v1 =	vadd.f32 v2, v1  }
0x120: {  	v2 =	vld [tilespmem:s26+$0x13C28]  }
0x121: {  	v1 =	vadd.f32 v3, v1  }
0x122: {  	v3 =	vld [tilespmem:s26+$0x13E28]  }
0x123: {  	v1 =	vadd.f32 v4, v1  }
0x124: {  	v4 =	vld [tilespmem:s26+$0x14028]  }
0x125: {  	v1 =	vadd.f32 v2, v1  }
0x126: {  	v2 =	vld [tilespmem:s26+$0x14228]  }
0x127: {  	v1 =	vadd.f32 v3, v1  }
0x128: {  	v3 =	vld [tilespmem:s26+$0x14428]  }
0x129: {  	v1 =	vadd.f32 v4, v1  }
0x12a: {  	v4 =	vld [tilespmem:s26+$0x14628]  }
0x12b: {  	v1 =	vadd.f32 v2, v1  }
0x12c: {  	v2 =	vld [tilespmem:s26+$0x14828]  }
0x12d: {  	v1 =	vadd.f32 v3, v1  }
0x12e: {  	v3 =	vld [tilespmem:s26+$0x14A28]  }
0x12f: {  	v1 =	vadd.f32 v4, v1  }
0x130: {  	v4 =	vld [tilespmem:s26+$0x14C28]  }
0x131: {  	v1 =	vadd.f32 v2, v1  }
0x132: {  	v2 =	vld [tilespmem:s26+$0x14E28]  }
0x133: {  	v1 =	vadd.f32 v3, v1  }
0x134: {  	v3 =	vld [tilespmem:s26+$0x15028]  }
0x135: {  	v1 =	vadd.f32 v4, v1  }
0x136: {  	v4 =	vld [tilespmem:s26+$0x15228]  }
0x137: {  	v1 =	vadd.f32 v2, v1  }
0x138: {  	v2 =	vld [tilespmem:s26+$0x15428]  }
0x139: {  	v1 =	vadd.f32 v3, v1  }
0x13a: {  	v3 =	vld [tilespmem:s26+$0x15628]  }
0x13b: {  	v1 =	vadd.f32 v4, v1  }
0x13c: {  	v4 =	vld [tilespmem:s26+$0x15828]  }
0x13d: {  	v1 =	vadd.f32 v2, v1  }
0x13e: {  	v2 =	vld [tilespmem:s26+$0x15A28]  }
0x13f: {  	v1 =	vadd.f32 v3, v1;
	_ =	sdelay $0x1  }
0x140: {  	v1 =	vadd.f32 v4, v1;
	_ =	sdelay $0x1  }
0x141: {  	v1 =	vadd.f32 v2, v1;
	_ =	sdelay $0x1  }
0x142: {  	v1 =	vsub.f32 $0.0e+00, v1;
	_ =	sdelay $0x1  }
0x143: {  	v1 =	vmul.f32 $1.442695020e+00, v1;
	_ =	sdelay $0x1  }
0x144: {  	(erf) = vpow2.f32 v1;
	_ =	sdelay $0x8  }
0x145: {  	v1 =	vpop (erf)  }
0x146: {  	v1 =	vadd.f32 $1.000000000e+00, v1;
	_ =	sdelay $0x1  }
0x147: {  	(erf) = vrcp.f32 v1;
	_ =	sdelay $0x6  }
.Ltmp2:
0x148: {  	(pc) =	sbr.rel @p3 .LBB2_5-.Ltmp2, $4  }
0x149: {  	_ = 	snop  }
0x14a: {  	s23 =	sadd.s32 $0x10, s23;
	v1 =	vpop (erf)  }
0x14b: {  	s24 =	sadd.s32 $0x10, s24;
	[tilespmem:s23+$0x0] =	vst v1  }
0x14c: {  	s14 =	sadd.s32 $0x10, s14;
	v1 =	vld [tilespmem:s24+$0x0]  }
0x14d: {  	s14 =	sand.u32 $0x1F0, s25  }
0x14e: {  	v2 =	vld [tilespmem:s14+$0x12A28];
	_ =	sdelay $0x1  }
0x14f: {  	v3 =	vld [tilespmem:s14+$0x12C28]  }
0x150: {  	v0 =	vadd.f32 v1, v0  }
0x151: {  	v41 =	vld [tilespmem:s14+$0x12E28]  }
0x152: {  	v0 =	vadd.f32 v2, v0  }
0x153: {  	v42 =	vld [tilespmem:s14+$0x13028]  }
0x154: {  	v0 =	vadd.f32 v3, v0  }
0x155: {  	v43 =	vld [tilespmem:s14+$0x13228]  }
0x156: {  	v0 =	vadd.f32 v41, v0  }
0x157: {  	v44 =	vld [tilespmem:s14+$0x13428]  }
0x158: {  	v0 =	vadd.f32 v42, v0  }
0x159: {  	v45 =	vld [tilespmem:s14+$0x13628]  }
0x15a: {  	v0 =	vadd.f32 v43, v0  }
0x15b: {  	v46 =	vld [tilespmem:s14+$0x13828]  }
0x15c: {  	v0 =	vadd.f32 v44, v0  }
0x15d: {  	v47 =	vld [tilespmem:s14+$0x13A28]  }
0x15e: {  	v0 =	vadd.f32 v45, v0  }
0x15f: {  	v48 =	vld [tilespmem:s14+$0x13C28]  }
0x160: {  	v0 =	vadd.f32 v46, v0  }
0x161: {  	v49 =	vld [tilespmem:s14+$0x13E28]  }
0x162: {  	v0 =	vadd.f32 v47, v0  }
0x163: {  	v50 =	vld [tilespmem:s14+$0x14028]  }
0x164: {  	v0 =	vadd.f32 v48, v0  }
0x165: {  	v51 =	vld [tilespmem:s14+$0x14228]  }
0x166: {  	v0 =	vadd.f32 v49, v0  }
0x167: {  	v52 =	vld [tilespmem:s14+$0x14428]  }
0x168: {  	v0 =	vadd.f32 v50, v0  }
0x169: {  	v53 =	vld [tilespmem:s14+$0x14628]  }
0x16a: {  	v0 =	vadd.f32 v51, v0  }
0x16b: {  	v54 =	vld [tilespmem:s14+$0x14828]  }
0x16c: {  	v0 =	vadd.f32 v52, v0  }
0x16d: {  	v55 =	vld [tilespmem:s14+$0x14A28]  }
0x16e: {  	v0 =	vadd.f32 v53, v0  }
0x16f: {  	v56 =	vld [tilespmem:s14+$0x14C28]  }
0x170: {  	v0 =	vadd.f32 v54, v0  }
0x171: {  	v57 =	vld [tilespmem:s14+$0x14E28]  }
0x172: {  	v0 =	vadd.f32 v55, v0  }
0x173: {  	v58 =	vld [tilespmem:s14+$0x15028]  }
0x174: {  	v0 =	vadd.f32 v56, v0  }
0x175: {  	v59 =	vld [tilespmem:s14+$0x15228]  }
0x176: {  	v0 =	vadd.f32 v57, v0  }
0x177: {  	v60 =	vld [tilespmem:s14+$0x15428]  }
0x178: {  	v0 =	vadd.f32 v58, v0  }
0x179: {  	v61 =	vld [tilespmem:s14+$0x15628]  }
0x17a: {  	v0 =	vadd.f32 v59, v0  }
0x17b: {  	v62 =	vld [tilespmem:s14+$0x15828]  }
0x17c: {  	v0 =	vadd.f32 v60, v0  }
0x17d: {  	v63 =	vld [tilespmem:s14+$0x15A28]  }
0x17e: {  	v0 =	vadd.f32 v61, v0;
	_ =	sdelay $0x1  }
0x17f: {  	v0 =	vadd.f32 v62, v0;
	_ =	sdelay $0x1  }
0x180: {  	v0 =	vadd.f32 v63, v0;
	_ =	sdelay $0x1  }
0x181: {  	v0 =	vsub.f32 $0.0e+00, v0;
	_ =	sdelay $0x1  }
0x182: {  	v0 =	vmul.f32 $1.442695020e+00, v0;
	_ =	sdelay $0x1  }
0x183: {  	(erf) = vpow2.f32 v0;
	_ =	sdelay $0x8  }
0x184: {  	v0 =	vpop (erf)  }
0x185: {  	v0 =	vadd.f32 $1.000000000e+00, v0;
	_ =	sdelay $0x1  }
0x186: {  	(erf) = vrcp.f32 v0;
	_ =	sdelay $0x7  }
0x187: {  	s22 =	sadd.s32 $0x1, s22  }
0x188: {  	s26 =	sadd.s32 $0x10, s23;
	p3 =	sne.s32 s22, s10;
	v0 =	vpop (erf)  }
.Ltmp3:
0x189: {  	[tilespmem:s26+$0x0] =	vst v0;
	(pc) =	sbr.rel @p3 .LBB2_1-.Ltmp3, $4  }
0x18a: {  	[hbm4b:s9+s4] =	stream.linear.scatter [tilespmem:s21], [sflag:$0x2], $0x200, $0x38;
	[tilespmem:$0x15EA8] =	vst v63  }
0x18b: {  	_ =	swait.ge [sflag:s18], $0x200  }
0x18c: {  	[sflag:s18] =	ssyncset.done $0x0  }
0x18d: {  	[sflag:s18] =	ssyncadd.s32 $0xFFFFFE00  }
0x18e: {  	_ =	sfence.sel $0x180000  }
0x18f: {  	[bflag:$0x0] =	sbarrier.arrive $0xFFFF  }
0x190: {  	_ =	strace $0x90000047  }
0x191: {  	s0 =	stileid.u32;
	[bflag:$0x2] =	sbarrier.arrive $0xFFFF  }
0x192: {  	p0 =	sne.s32 s0, $0x0;
	s0 =	rddreg [dreg:$0x4]  }
0x193: {  	s0 =	sadd.s32 @!p0 $0x100000, s0  }
0x194: {  	[sflag:s0] =	ssyncadd.tile.s32 @!p0 $0x1;
	_ =	shalt  }
.Lfunc_end2:
_tile_overlayer_lowered:
.L_overlay_start_2:
0x195: {  	(tag) =	ssettag $0x2  }
0x196: {  	s0 =	rddreg [dreg:$0x0];
	s2 =	stileid.u32  }
0x197: {  	s1 =	rddreg [dreg:$0x1];
	p0 =	sne.s32 s2, $0x0  }
0x198: {  	s3 =	rddreg [dreg:$0x2];
	[bflag:$0x3] =	sbarrier.arrive $0xFFFF;
	s2 =	simm.s32 @!p0 $0x1C02  }
0x199: {  	[timem:s3], [sflag:s2] =	dma.local @!p0 [hbm:s0], s1  }
0x19a: {  	s0 =	simm.s32 @!p0 $0x2  }
0x19b: {  	_ =	swait.ge @!p0 [sflag:s0], s1  }
0x19c: {  	s1 =	ssub.s32 @!p0 $0x0, s1;
	[sflag:s0] =	ssyncset.done @!p0 $0x0  }
0x19d: {  	[sflag:s0] =	ssyncadd.s32 @!p0 s1  }
0x19e: {  	[bflag:$0x3] =	sbarrier.arrive $0xFFFF  }
0x19f: {  	_ =	shalt  }

</sc_bundles>
